<compile_context>
chip_gen: v7x
topology: tpu7x:2x2x1
jax: 0.10.2.dev20260603
libtpu: 0.0.44.dev20260713+nightly
codegen_flags: <defaults>
</compile_context>

<pallas_src>
import functools

import jax
import jax.numpy as jnp
from jax import lax
from jax.experimental import pallas as pl
from jax.experimental.pallas import tpu as pltpu
from jax.experimental.pallas import tpu_sc as plsc

N = 10000
E = 320000
D = 128
K = 2
ALPHA = 0.5

NC = 2
NS = 16
NW = NC * NS
EPW = E // NW
C = 80
NCHUNK = EPW // C
NP = 10112
RPT = NP // NS

_MESH = plsc.VectorSubcoreMesh(core_axis_name="c", subcore_axis_name="s")

_NB = 3
_MAIN = NCHUNK - NCHUNK % _NB


def _edge_body(packed_hbm, hs_hbm, zeros_hbm, out_hbm,
               pk_v, sb0, sb1, sb2, db0, db1, db2, r0, r1, r2,
               s0, s1, s2, zsem, acc_sh):
    cid = lax.axis_index("c")
    sid = lax.axis_index("s")
    wid = sid * NC + cid
    sbufs = [sb0, sb1, sb2]
    dbufs = [db0, db1, db2]
    rows = [r0, r1, r2]
    sems = [s0, s1, s2]

    @pl.loop(0, RPT // 8)
    def _zero(j):
        pltpu.async_copy(zeros_hbm,
                         acc_sh.at[pl.ds(sid * RPT + j * 8, 8)], zsem)
    pltpu.sync_copy(packed_hbm.at[wid], pk_v)
    @pl.loop(0, RPT // 8)
    def _zero_wait(j):
        pltpu.make_async_copy(
            zeros_hbm, acc_sh.at[pl.ds(sid * RPT + j * 8, 8)], zsem).wait()
    plsc.subcore_barrier()

    def unpack(c, sb, db):
        for i in range(C // 16):
            x = pk_v[pl.ds(c * C + i * 16, 16)]
            sb[pl.ds(i * 16, 16)] = lax.shift_right_logical(x, 16)
            db[pl.ds(i * 16, 16)] = lax.bitwise_and(x, 0xFFFF)

    for b in range(_NB):
        unpack(b, sbufs[b], dbufs[b])
        pltpu.async_copy(hs_hbm.at[sbufs[b]], rows[b], sems[b])
    @pl.loop(0, _MAIN, step=_NB)
    def _chunk(j):
        for b in range(_NB):
            pltpu.make_async_copy(hs_hbm.at[sbufs[b]], rows[b],
                                  sems[b]).wait()
            pltpu.sync_copy(rows[b], acc_sh.at[dbufs[b]], add=True)
            nxt = j + b + _NB
            @pl.when(nxt < NCHUNK)
            def _prefetch():
                unpack(nxt, sbufs[b], dbufs[b])
                pltpu.async_copy(hs_hbm.at[sbufs[b]], rows[b], sems[b])
    for b in range(NCHUNK - _MAIN):
        pltpu.make_async_copy(hs_hbm.at[sbufs[b]], rows[b], sems[b]).wait()
        pltpu.sync_copy(rows[b], acc_sh.at[dbufs[b]], add=True)
    plsc.subcore_barrier()
    pltpu.sync_copy(acc_sh.at[pl.ds(sid * RPT, RPT)],
                    out_hbm.at[cid, pl.ds(sid * RPT, RPT)])


_edge_kernel = functools.partial(
    pl.kernel,
    out_type=jax.ShapeDtypeStruct((NC, NP, D), jnp.float32),
    mesh=_MESH,
    scratch_types=[
        pltpu.VMEM((EPW,), jnp.int32),
    ] + [pltpu.VMEM((C,), jnp.int32) for _ in range(2 * _NB)]
      + [pltpu.VMEM((C, D), jnp.float32) for _ in range(_NB)]
      + [pltpu.SemaphoreType.DMA for _ in range(_NB + 1)]
      + [pltpu.VMEM_SHARED((NP, D), jnp.float32)],
)(_edge_body)



_BN = 1000


def _mix_body(flag_ref, mp_ref, f_ref, ri_ref, normb_ref, hpre_ref,
              hs_o, ri_o, normb_o, hpre_o):
    flag = flag_ref[0, 0] > 0.5
    m = mp_ref[0] + mp_ref[1]
    f = f_ref[...]
    d = jnp.maximum(m[:, 0:1], 1.0)
    norm = lax.rsqrt(d)
    hnew = (ALPHA * (m * normb_ref[...]) + ALPHA * ri_ref[...]
            + (1.0 - ALPHA) * hpre_ref[...])
    hpre2 = jnp.where(flag, f, hnew)
    normb2 = jnp.where(flag, jnp.broadcast_to(norm, f.shape), normb_ref[...])
    ri2 = jnp.where(flag, f / d, ri_ref[...])
    hpre_o[...] = hpre2
    normb_o[...] = normb2
    ri_o[...] = ri2
    hs_o[...] = hpre2 * normb2


def _mix_kernel(flag, m_parts, features, ri, normb, h_pre):
    grid = N // _BN
    blk = pl.BlockSpec((_BN, D), lambda i: (i, 0))
    return pl.pallas_call(
        _mix_body,
        grid=(grid,),
        in_specs=[
            pl.BlockSpec((1, 1), lambda i: (0, 0)),
            pl.BlockSpec((NC, _BN, D), lambda i: (0, i, 0)),
            blk, blk, blk, blk,
        ],
        out_specs=[blk, blk, blk, blk],
        out_shape=[jax.ShapeDtypeStruct((N, D), jnp.float32)] * 4,
    )(flag, m_parts, features, ri, normb, h_pre)


def kernel(features, edge_index):
    src = edge_index[0].reshape(NW, EPW)
    dst = edge_index[1].reshape(NW, EPW)
    packed = jnp.left_shift(src, 16) | dst
    zerosD = jnp.zeros((8, D), jnp.float32)
    zerosND = jnp.zeros((N, D), jnp.float32)
    onesND = jnp.ones((N, D), jnp.float32)

    flags = jnp.concatenate(
        [jnp.ones((1, 1, 1), jnp.float32),
         jnp.zeros((K, 1, 1), jnp.float32)], axis=0)

    def step(carry, flag):
        hs, ri, normb, h_pre = carry
        m_parts = _edge_kernel(packed, hs, zerosD)
        hs2, ri2, normb2, hpre2 = _mix_kernel(
            flag, m_parts, features, ri, normb, h_pre)
        return (hs2, ri2, normb2, hpre2), None

    (hs, ri, normb, h_pre), _ = lax.scan(
        step, (onesND, zerosND, zerosND, features), flags)
    return h_pre

# --- scband reference (transcript-rebuilt; emitter-appended) ---
"""Pipeline reference for scband-vsgclayer-20340965114308 (READ-ONLY COPY).

The authoritative reference and input builder live on the scoring server;
editing this copy changes nothing except your own understanding.
"""

import jax, jax.numpy as jnp
import numpy as np

N = 10000
E = 320000
D = 128
K = 2
ALPHA = 0.5


def setup_inputs(seed: int = 0) -> dict:
    key = jax.random.key(seed)
    k1, k2 = jax.random.split(key)
    features = jax.random.normal(k1, (N, D), dtype=jnp.float32)
    edge_index = jax.random.randint(k2, (2, E), 0, N, dtype=jnp.int32)
    return {"features": features, "edge_index": edge_index}


def reference(features, edge_index):
    src = edge_index[0]
    dst = edge_index[1]
    # in-degrees (messages aggregated at dst), clamped at 1
    degs = jnp.clip(jnp.bincount(dst, length=N).astype(jnp.float32), 1.0, None)
    norm = (degs ** -0.5)[:, None]
    norm_1 = (degs ** -1.0)[:, None]
    h = features
    h_pre = h
    ri = h * norm_1
    for _ in range(K):
        h = h * norm
        # copy_u 'h' -> message, sum at dst (scatter-add)
        m = jax.ops.segment_sum(h[src], dst, num_segments=N)
        h = m * norm
        h = ALPHA * h + ALPHA * ri + (1.0 - ALPHA) * h_pre
        h_pre = h
    return h

if __name__ == "__main__":
    import jax
    _d = setup_inputs()
    print(jax.jit(kernel)(*tuple(_d.values())))

</pallas_src>

<mosaic_0001>
#map = affine_map<(d0, d1) -> (0, 0)>
#map1 = affine_map<(d0, d1) -> (0, 0, 0)>
module attributes {stable_mosaic.version = 14 : i64} {
  func.func @_edge_body(%arg0: i32, %arg1: i32, %arg2: memref<32x10000xi32, #tpu.memory_space<hbm>>, %arg3: memref<10000x128xf32, #tpu.memory_space<hbm>>, %arg4: memref<8x128xf32, #tpu.memory_space<hbm>>, %arg5: memref<2x10112x128xf32, #tpu.memory_space<hbm>>, %arg6: memref<10000xi32, #tpu.memory_space<vmem>>, %arg7: memref<80xi32, #tpu.memory_space<vmem>>, %arg8: memref<80xi32, #tpu.memory_space<vmem>>, %arg9: memref<80xi32, #tpu.memory_space<vmem>>, %arg10: memref<80xi32, #tpu.memory_space<vmem>>, %arg11: memref<80xi32, #tpu.memory_space<vmem>>, %arg12: memref<80xi32, #tpu.memory_space<vmem>>, %arg13: memref<80x128xf32, #tpu.memory_space<vmem>>, %arg14: memref<80x128xf32, #tpu.memory_space<vmem>>, %arg15: memref<80x128xf32, #tpu.memory_space<vmem>>, %arg16: memref<!tpu.dma_semaphore, #tpu.memory_space<semaphore_mem>>, %arg17: memref<!tpu.dma_semaphore, #tpu.memory_space<semaphore_mem>>, %arg18: memref<!tpu.dma_semaphore, #tpu.memory_space<semaphore_mem>>, %arg19: memref<!tpu.dma_semaphore, #tpu.memory_space<semaphore_mem>>, %arg20: memref<10112x128xf32, #tpu.memory_space<vmem_shared>>) attributes {dimension_semantics = [#tpu.dimension_semantics<core_parallel>, #tpu.dimension_semantics<subcore_parallel>], iteration_bounds = array<i64: 2, 16>, scalar_prefetch = 0 : i64, scratch_operands = 15 : i64, tpu.core_type = #tpu.core_type<sc_vector_subcore>, window_params = [{transform_indices = #map}, {transform_indices = #map}, {transform_indices = #map}, {transform_indices = #map1}]} {
    %mul3A = arith.constant 2 : i32
    %mul3A_0 = arith.muli %arg1, %mul3A : i32
    %add3A = arith.addi %mul3A_0, %arg0 : i32
    %scan3A = arith.constant 0 : i32
    %scan3A_1 = arith.constant 79 : i32
    %scan3A_2 = arith.addi %scan3A, %scan3A_1 : i32
    %scan3A_3 = arith.constant 1 : i32
    scf.for %scan3A_284 = %scan3A to %scan3A_2 step %scan3A_3  : i32 {
      %mul3A_285 = arith.constant 1 : i32
      %mul3A_286 = arith.muli %scan3A_284, %mul3A_285 : i32
      %add3A_287 = arith.constant 0 : i32
      %add3A_288 = arith.addi %add3A_287, %mul3A_286 : i32
      %mul3A_289 = arith.constant 632 : i32
      %mul3A_290 = arith.muli %arg1, %mul3A_289 : i32
      %mul3A_291 = arith.constant 8 : i32
      %mul3A_292 = arith.muli %add3A_288, %mul3A_291 : i32
      %add3A_293 = arith.addi %mul3A_290, %mul3A_292 : i32
      %dma_start3A_294 = arith.constant 0 : i32
      %dma_start3A_295 = tpu.memref_slice %arg20[%add3A_293, %dma_start3A_294] : memref<10112x128xf32, #tpu.memory_space<vmem_shared>> -> memref<8x128xf32, #tpu.memory_space<vmem_shared>>
      tpu.enqueue_dma source(%arg4 : memref<8x128xf32, #tpu.memory_space<hbm>>) target(%dma_start3A_295 : memref<8x128xf32, #tpu.memory_space<vmem_shared>>) target_semaphore(%arg19 : memref<!tpu.dma_semaphore, #tpu.memory_space<semaphore_mem>>)
    }
    %scan3A_4 = arith.constant 79 : i32
    "tpu.region"() ({
      %run_scoped3A = tpu.sem_alloc : memref<!tpu.dma_semaphore, #tpu.memory_space<semaphore_mem>>
      %dma_start3A_284 = arith.constant 0 : i32
      %dma_start3A_285 = tpu.memref_slice %arg2[%add3A, %dma_start3A_284] : memref<32x10000xi32, #tpu.memory_space<hbm>> -> memref<1x10000xi32, #tpu.memory_space<hbm>>
      %dma_start3A_286 = tpu.memref_squeeze %dma_start3A_285 : memref<1x10000xi32, #tpu.memory_space<hbm>> -> memref<10000xi32, #tpu.memory_space<hbm>>
      %dma_start3A_287 = arith.constant 0 : i32
      %dma_start3A_288 = tpu.memref_slice %arg2[%add3A, %dma_start3A_287] : memref<32x10000xi32, #tpu.memory_space<hbm>> -> memref<1x10000xi32, #tpu.memory_space<hbm>>
      %dma_start3A_289 = tpu.memref_squeeze %dma_start3A_288 : memref<1x10000xi32, #tpu.memory_space<hbm>> -> memref<10000xi32, #tpu.memory_space<hbm>>
      tpu.enqueue_dma source(%dma_start3A_289 : memref<10000xi32, #tpu.memory_space<hbm>>) target(%arg6 : memref<10000xi32, #tpu.memory_space<vmem>>) target_semaphore(%run_scoped3A : memref<!tpu.dma_semaphore, #tpu.memory_space<semaphore_mem>>)
      %dma_wait3A_290 = arith.constant 0 : i32
      %dma_wait3A_291 = tpu.memref_slice %arg2[%add3A, %dma_wait3A_290] : memref<32x10000xi32, #tpu.memory_space<hbm>> -> memref<1x10000xi32, #tpu.memory_space<hbm>>
      %dma_wait3A_292 = tpu.memref_squeeze %dma_wait3A_291 : memref<1x10000xi32, #tpu.memory_space<hbm>> -> memref<10000xi32, #tpu.memory_space<hbm>>
      %dma_wait3A_293 = arith.constant 0 : i32
      %dma_wait3A_294 = tpu.memref_slice %arg2[%add3A, %dma_wait3A_293] : memref<32x10000xi32, #tpu.memory_space<hbm>> -> memref<1x10000xi32, #tpu.memory_space<hbm>>
      %dma_wait3A_295 = tpu.memref_squeeze %dma_wait3A_294 : memref<1x10000xi32, #tpu.memory_space<hbm>> -> memref<10000xi32, #tpu.memory_space<hbm>>
      tpu.wait_dma2 semaphore(%run_scoped3A : memref<!tpu.dma_semaphore, #tpu.memory_space<semaphore_mem>>) src(%dma_wait3A_295 : memref<10000xi32, #tpu.memory_space<hbm>>) dst(%arg6 : memref<10000xi32, #tpu.memory_space<vmem>>)
      tpu.yield
    }) : () -> ()
    %scan3A_5 = arith.constant 0 : i32
    %scan3A_6 = arith.constant 79 : i32
    %scan3A_7 = arith.addi %scan3A_5, %scan3A_6 : i32
    %scan3A_8 = arith.constant 1 : i32
    scf.for %scan3A_284 = %scan3A_5 to %scan3A_7 step %scan3A_8  : i32 {
      %mul3A_285 = arith.constant 1 : i32
      %mul3A_286 = arith.muli %scan3A_284, %mul3A_285 : i32
      %add3A_287 = arith.constant 0 : i32
      %add3A_288 = arith.addi %add3A_287, %mul3A_286 : i32
      %mul3A_289 = arith.constant 632 : i32
      %mul3A_290 = arith.muli %arg1, %mul3A_289 : i32
      %mul3A_291 = arith.constant 8 : i32
      %mul3A_292 = arith.muli %add3A_288, %mul3A_291 : i32
      %add3A_293 = arith.addi %mul3A_290, %mul3A_292 : i32
      %dma_wait3A_294 = arith.constant 0 : i32
      %dma_wait3A_295 = tpu.memref_slice %arg20[%add3A_293, %dma_wait3A_294] : memref<10112x128xf32, #tpu.memory_space<vmem_shared>> -> memref<8x128xf32, #tpu.memory_space<vmem_shared>>
      tpu.wait_dma2 semaphore(%arg19 : memref<!tpu.dma_semaphore, #tpu.memory_space<semaphore_mem>>) src(%arg4 : memref<8x128xf32, #tpu.memory_space<hbm>>) dst(%dma_wait3A_295 : memref<8x128xf32, #tpu.memory_space<vmem_shared>>)
    }
    %scan3A_9 = arith.constant 79 : i32
    %barrier3A = arith.constant 0 : index
    tpu.barrier barrier_id(%barrier3A)
    %get3A = arith.constant 0 : index
    %get3A_10 = tpu.vector_load %arg6[%get3A] {strides = array<i32>} : memref<10000xi32, #tpu.memory_space<vmem>>, vector<16xi32>,
    %get3A_11 = vector.shape_cast %get3A_10 : vector<16xi32> to vector<16xi32>
    %shift_right_logical3A = arith.constant 16 : i32
    %shift_right_logical3A_12 = vector.broadcast %shift_right_logical3A : i32 to vector<16xi32>
    %shift_right_logical3A_13 = arith.shrui %get3A_11, %shift_right_logical3A_12 : vector<16xi32>
    %swap3A = arith.constant 0 : index
    %swap3A_14 = tpu.vector_load %arg7[%swap3A] {strides = array<i32>} : memref<80xi32, #tpu.memory_space<vmem>>, vector<16xi32>,
    %swap3A_15 = vector.shape_cast %swap3A_14 : vector<16xi32> to vector<16xi32>
    %swap3A_16 = vector.shape_cast %shift_right_logical3A_13 : vector<16xi32> to vector<16xi32>
    tpu.vector_store %arg7[%swap3A], %swap3A_16 {strides = array<i32>} : memref<80xi32, #tpu.memory_space<vmem>>, vector<16xi32>,
    %and3A = arith.constant 65535 : i32
    %and3A_17 = vector.broadcast %and3A : i32 to vector<16xi32>
    %and3A_18 = arith.andi %get3A_11, %and3A_17 : vector<16xi32>
    %swap3A_19 = arith.constant 0 : index
    %swap3A_20 = tpu.vector_load %arg10[%swap3A_19] {strides = array<i32>} : memref<80xi32, #tpu.memory_space<vmem>>, vector<16xi32>,
    %swap3A_21 = vector.shape_cast %swap3A_20 : vector<16xi32> to vector<16xi32>
    %swap3A_22 = vector.shape_cast %and3A_18 : vector<16xi32> to vector<16xi32>
    tpu.vector_store %arg10[%swap3A_19], %swap3A_22 {strides = array<i32>} : memref<80xi32, #tpu.memory_space<vmem>>, vector<16xi32>,
    %get3A_23 = arith.constant 16 : index
    %get3A_24 = tpu.vector_load %arg6[%get3A_23] {strides = array<i32>} : memref<10000xi32, #tpu.memory_space<vmem>>, vector<16xi32>,
    %get3A_25 = vector.shape_cast %get3A_24 : vector<16xi32> to vector<16xi32>
    %shift_right_logical3A_26 = arith.constant 16 : i32
    %shift_right_logical3A_27 = vector.broadcast %shift_right_logical3A_26 : i32 to vector<16xi32>
    %shift_right_logical3A_28 = arith.shrui %get3A_25, %shift_right_logical3A_27 : vector<16xi32>
    %swap3A_29 = arith.constant 16 : index
    %swap3A_30 = tpu.vector_load %arg7[%swap3A_29] {strides = array<i32>} : memref<80xi32, #tpu.memory_space<vmem>>, vector<16xi32>,
    %swap3A_31 = vector.shape_cast %swap3A_30 : vector<16xi32> to vector<16xi32>
    %swap3A_32 = vector.shape_cast %shift_right_logical3A_28 : vector<16xi32> to vector<16xi32>
    tpu.vector_store %arg7[%swap3A_29], %swap3A_32 {strides = array<i32>} : memref<80xi32, #tpu.memory_space<vmem>>, vector<16xi32>,
    %and3A_33 = arith.constant 65535 : i32
    %and3A_34 = vector.broadcast %and3A_33 : i32 to vector<16xi32>
    %and3A_35 = arith.andi %get3A_25, %and3A_34 : vector<16xi32>
    %swap3A_36 = arith.constant 16 : index
    %swap3A_37 = tpu.vector_load %arg10[%swap3A_36] {strides = array<i32>} : memref<80xi32, #tpu.memory_space<vmem>>, vector<16xi32>,
    %swap3A_38 = vector.shape_cast %swap3A_37 : vector<16xi32> to vector<16xi32>
    %swap3A_39 = vector.shape_cast %and3A_35 : vector<16xi32> to vector<16xi32>
    tpu.vector_store %arg10[%swap3A_36], %swap3A_39 {strides = array<i32>} : memref<80xi32, #tpu.memory_space<vmem>>, vector<16xi32>,
    %get3A_40 = arith.constant 32 : index
    %get3A_41 = tpu.vector_load %arg6[%get3A_40] {strides = array<i32>} : memref<10000xi32, #tpu.memory_space<vmem>>, vector<16xi32>,
    %get3A_42 = vector.shape_cast %get3A_41 : vector<16xi32> to vector<16xi32>
    %shift_right_logical3A_43 = arith.constant 16 : i32
    %shift_right_logical3A_44 = vector.broadcast %shift_right_logical3A_43 : i32 to vector<16xi32>
    %shift_right_logical3A_45 = arith.shrui %get3A_42, %shift_right_logical3A_44 : vector<16xi32>
    %swap3A_46 = arith.constant 32 : index
    %swap3A_47 = tpu.vector_load %arg7[%swap3A_46] {strides = array<i32>} : memref<80xi32, #tpu.memory_space<vmem>>, vector<16xi32>,
    %swap3A_48 = vector.shape_cast %swap3A_47 : vector<16xi32> to vector<16xi32>
    %swap3A_49 = vector.shape_cast %shift_right_logical3A_45 : vector<16xi32> to vector<16xi32>
    tpu.vector_store %arg7[%swap3A_46], %swap3A_49 {strides = array<i32>} : memref<80xi32, #tpu.memory_space<vmem>>, vector<16xi32>,
    %and3A_50 = arith.constant 65535 : i32
    %and3A_51 = vector.broadcast %and3A_50 : i32 to vector<16xi32>
    %and3A_52 = arith.andi %get3A_42, %and3A_51 : vector<16xi32>
    %swap3A_53 = arith.constant 32 : index
    %swap3A_54 = tpu.vector_load %arg10[%swap3A_53] {strides = array<i32>} : memref<80xi32, #tpu.memory_space<vmem>>, vector<16xi32>,
    %swap3A_55 = vector.shape_cast %swap3A_54 : vector<16xi32> to vector<16xi32>
    %swap3A_56 = vector.shape_cast %and3A_52 : vector<16xi32> to vector<16xi32>
    tpu.vector_store %arg10[%swap3A_53], %swap3A_56 {strides = array<i32>} : memref<80xi32, #tpu.memory_space<vmem>>, vector<16xi32>,
    %get3A_57 = arith.constant 48 : index
    %get3A_58 = tpu.vector_load %arg6[%get3A_57] {strides = array<i32>} : memref<10000xi32, #tpu.memory_space<vmem>>, vector<16xi32>,
    %get3A_59 = vector.shape_cast %get3A_58 : vector<16xi32> to vector<16xi32>
    %shift_right_logical3A_60 = arith.constant 16 : i32
    %shift_right_logical3A_61 = vector.broadcast %shift_right_logical3A_60 : i32 to vector<16xi32>
    %shift_right_logical3A_62 = arith.shrui %get3A_59, %shift_right_logical3A_61 : vector<16xi32>
    %swap3A_63 = arith.constant 48 : index
    %swap3A_64 = tpu.vector_load %arg7[%swap3A_63] {strides = array<i32>} : memref<80xi32, #tpu.memory_space<vmem>>, vector<16xi32>,
    %swap3A_65 = vector.shape_cast %swap3A_64 : vector<16xi32> to vector<16xi32>
    %swap3A_66 = vector.shape_cast %shift_right_logical3A_62 : vector<16xi32> to vector<16xi32>
    tpu.vector_store %arg7[%swap3A_63], %swap3A_66 {strides = array<i32>} : memref<80xi32, #tpu.memory_space<vmem>>, vector<16xi32>,
    %and3A_67 = arith.constant 65535 : i32
    %and3A_68 = vector.broadcast %and3A_67 : i32 to vector<16xi32>
    %and3A_69 = arith.andi %get3A_59, %and3A_68 : vector<16xi32>
    %swap3A_70 = arith.constant 48 : index
    %swap3A_71 = tpu.vector_load %arg10[%swap3A_70] {strides = array<i32>} : memref<80xi32, #tpu.memory_space<vmem>>, vector<16xi32>,
    %swap3A_72 = vector.shape_cast %swap3A_71 : vector<16xi32> to vector<16xi32>
    %swap3A_73 = vector.shape_cast %and3A_69 : vector<16xi32> to vector<16xi32>
    tpu.vector_store %arg10[%swap3A_70], %swap3A_73 {strides = array<i32>} : memref<80xi32, #tpu.memory_space<vmem>>, vector<16xi32>,
    %get3A_74 = arith.constant 64 : index
    %get3A_75 = tpu.vector_load %arg6[%get3A_74] {strides = array<i32>} : memref<10000xi32, #tpu.memory_space<vmem>>, vector<16xi32>,
    %get3A_76 = vector.shape_cast %get3A_75 : vector<16xi32> to vector<16xi32>
    %shift_right_logical3A_77 = arith.constant 16 : i32
    %shift_right_logical3A_78 = vector.broadcast %shift_right_logical3A_77 : i32 to vector<16xi32>
    %shift_right_logical3A_79 = arith.shrui %get3A_76, %shift_right_logical3A_78 : vector<16xi32>
    %swap3A_80 = arith.constant 64 : index
    %swap3A_81 = tpu.vector_load %arg7[%swap3A_80] {strides = array<i32>} : memref<80xi32, #tpu.memory_space<vmem>>, vector<16xi32>,
    %swap3A_82 = vector.shape_cast %swap3A_81 : vector<16xi32> to vector<16xi32>
    %swap3A_83 = vector.shape_cast %shift_right_logical3A_79 : vector<16xi32> to vector<16xi32>
    tpu.vector_store %arg7[%swap3A_80], %swap3A_83 {strides = array<i32>} : memref<80xi32, #tpu.memory_space<vmem>>, vector<16xi32>,
    %and3A_84 = arith.constant 65535 : i32
    %and3A_85 = vector.broadcast %and3A_84 : i32 to vector<16xi32>
    %and3A_86 = arith.andi %get3A_76, %and3A_85 : vector<16xi32>
    %swap3A_87 = arith.constant 64 : index
    %swap3A_88 = tpu.vector_load %arg10[%swap3A_87] {strides = array<i32>} : memref<80xi32, #tpu.memory_space<vmem>>, vector<16xi32>,
    %swap3A_89 = vector.shape_cast %swap3A_88 : vector<16xi32> to vector<16xi32>
    %swap3A_90 = vector.shape_cast %and3A_86 : vector<16xi32> to vector<16xi32>
    tpu.vector_store %arg10[%swap3A_87], %swap3A_90 {strides = array<i32>} : memref<80xi32, #tpu.memory_space<vmem>>, vector<16xi32>,
    %dma_start3A = arith.constant 0 : i32
    %dma_start3A_91 = arith.constant 0 : i32
    %dma_start3A_92 = tpu.memref_slice %arg3[%dma_start3A, %dma_start3A_91] : memref<10000x128xf32, #tpu.memory_space<hbm>> -> memref<10000x128xf32, #tpu.memory_space<hbm>>
    tpu.enqueue_indirect_dma source(%dma_start3A_92 : memref<10000x128xf32, #tpu.memory_space<hbm>>) target(%arg13 : memref<80x128xf32, #tpu.memory_space<vmem>>) offsets(%arg7 : memref<80xi32, #tpu.memory_space<vmem>>) semaphore(%arg16 : memref<!tpu.dma_semaphore, #tpu.memory_space<semaphore_mem>>)
    %get3A_93 = arith.constant 80 : index
    %get3A_94 = tpu.vector_load %arg6[%get3A_93] {strides = array<i32>} : memref<10000xi32, #tpu.memory_space<vmem>>, vector<16xi32>,
    %get3A_95 = vector.shape_cast %get3A_94 : vector<16xi32> to vector<16xi32>
    %shift_right_logical3A_96 = arith.constant 16 : i32
    %shift_right_logical3A_97 = vector.broadcast %shift_right_logical3A_96 : i32 to vector<16xi32>
    %shift_right_logical3A_98 = arith.shrui %get3A_95, %shift_right_logical3A_97 : vector<16xi32>
    %swap3A_99 = arith.constant 0 : index
    %swap3A_100 = tpu.vector_load %arg8[%swap3A_99] {strides = array<i32>} : memref<80xi32, #tpu.memory_space<vmem>>, vector<16xi32>,
    %swap3A_101 = vector.shape_cast %swap3A_100 : vector<16xi32> to vector<16xi32>
    %swap3A_102 = vector.shape_cast %shift_right_logical3A_98 : vector<16xi32> to vector<16xi32>
    tpu.vector_store %arg8[%swap3A_99], %swap3A_102 {strides = array<i32>} : memref<80xi32, #tpu.memory_space<vmem>>, vector<16xi32>,
    %and3A_103 = arith.constant 65535 : i32
    %and3A_104 = vector.broadcast %and3A_103 : i32 to vector<16xi32>
    %and3A_105 = arith.andi %get3A_95, %and3A_104 : vector<16xi32>
    %swap3A_106 = arith.constant 0 : index
    %swap3A_107 = tpu.vector_load %arg11[%swap3A_106] {strides = array<i32>} : memref<80xi32, #tpu.memory_space<vmem>>, vector<16xi32>,
    %swap3A_108 = vector.shape_cast %swap3A_107 : vector<16xi32> to vector<16xi32>
    %swap3A_109 = vector.shape_cast %and3A_105 : vector<16xi32> to vector<16xi32>
    tpu.vector_store %arg11[%swap3A_106], %swap3A_109 {strides = array<i32>} : memref<80xi32, #tpu.memory_space<vmem>>, vector<16xi32>,
    %get3A_110 = arith.constant 96 : index
    %get3A_111 = tpu.vector_load %arg6[%get3A_110] {strides = array<i32>} : memref<10000xi32, #tpu.memory_space<vmem>>, vector<16xi32>,
    %get3A_112 = vector.shape_cast %get3A_111 : vector<16xi32> to vector<16xi32>
    %shift_right_logical3A_113 = arith.constant 16 : i32
    %shift_right_logical3A_114 = vector.broadcast %shift_right_logical3A_113 : i32 to vector<16xi32>
    %shift_right_logical3A_115 = arith.shrui %get3A_112, %shift_right_logical3A_114 : vector<16xi32>
    %swap3A_116 = arith.constant 16 : index
    %swap3A_117 = tpu.vector_load %arg8[%swap3A_116] {strides = array<i32>} : memref<80xi32, #tpu.memory_space<vmem>>, vector<16xi32>,
    %swap3A_118 = vector.shape_cast %swap3A_117 : vector<16xi32> to vector<16xi32>
    %swap3A_119 = vector.shape_cast %shift_right_logical3A_115 : vector<16xi32> to vector<16xi32>
    tpu.vector_store %arg8[%swap3A_116], %swap3A_119 {strides = array<i32>} : memref<80xi32, #tpu.memory_space<vmem>>, vector<16xi32>,
    %and3A_120 = arith.constant 65535 : i32
    %and3A_121 = vector.broadcast %and3A_120 : i32 to vector<16xi32>
    %and3A_122 = arith.andi %get3A_112, %and3A_121 : vector<16xi32>
    %swap3A_123 = arith.constant 16 : index
    %swap3A_124 = tpu.vector_load %arg11[%swap3A_123] {strides = array<i32>} : memref<80xi32, #tpu.memory_space<vmem>>, vector<16xi32>,
    %swap3A_125 = vector.shape_cast %swap3A_124 : vector<16xi32> to vector<16xi32>
    %swap3A_126 = vector.shape_cast %and3A_122 : vector<16xi32> to vector<16xi32>
    tpu.vector_store %arg11[%swap3A_123], %swap3A_126 {strides = array<i32>} : memref<80xi32, #tpu.memory_space<vmem>>, vector<16xi32>,
    %get3A_127 = arith.constant 112 : index
    %get3A_128 = tpu.vector_load %arg6[%get3A_127] {strides = array<i32>} : memref<10000xi32, #tpu.memory_space<vmem>>, vector<16xi32>,
    %get3A_129 = vector.shape_cast %get3A_128 : vector<16xi32> to vector<16xi32>
    %shift_right_logical3A_130 = arith.constant 16 : i32
    %shift_right_logical3A_131 = vector.broadcast %shift_right_logical3A_130 : i32 to vector<16xi32>
    %shift_right_logical3A_132 = arith.shrui %get3A_129, %shift_right_logical3A_131 : vector<16xi32>
    %swap3A_133 = arith.constant 32 : index
    %swap3A_134 = tpu.vector_load %arg8[%swap3A_133] {strides = array<i32>} : memref<80xi32, #tpu.memory_space<vmem>>, vector<16xi32>,
    %swap3A_135 = vector.shape_cast %swap3A_134 : vector<16xi32> to vector<16xi32>
    %swap3A_136 = vector.shape_cast %shift_right_logical3A_132 : vector<16xi32> to vector<16xi32>
    tpu.vector_store %arg8[%swap3A_133], %swap3A_136 {strides = array<i32>} : memref<80xi32, #tpu.memory_space<vmem>>, vector<16xi32>,
    %and3A_137 = arith.constant 65535 : i32
    %and3A_138 = vector.broadcast %and3A_137 : i32 to vector<16xi32>
    %and3A_139 = arith.andi %get3A_129, %and3A_138 : vector<16xi32>
    %swap3A_140 = arith.constant 32 : index
    %swap3A_141 = tpu.vector_load %arg11[%swap3A_140] {strides = array<i32>} : memref<80xi32, #tpu.memory_space<vmem>>, vector<16xi32>,
    %swap3A_142 = vector.shape_cast %swap3A_141 : vector<16xi32> to vector<16xi32>
    %swap3A_143 = vector.shape_cast %and3A_139 : vector<16xi32> to vector<16xi32>
    tpu.vector_store %arg11[%swap3A_140], %swap3A_143 {strides = array<i32>} : memref<80xi32, #tpu.memory_space<vmem>>, vector<16xi32>,
    %get3A_144 = arith.constant 128 : index
    %get3A_145 = tpu.vector_load %arg6[%get3A_144] {strides = array<i32>} : memref<10000xi32, #tpu.memory_space<vmem>>, vector<16xi32>,
    %get3A_146 = vector.shape_cast %get3A_145 : vector<16xi32> to vector<16xi32>
    %shift_right_logical3A_147 = arith.constant 16 : i32
    %shift_right_logical3A_148 = vector.broadcast %shift_right_logical3A_147 : i32 to vector<16xi32>
    %shift_right_logical3A_149 = arith.shrui %get3A_146, %shift_right_logical3A_148 : vector<16xi32>
    %swap3A_150 = arith.constant 48 : index
    %swap3A_151 = tpu.vector_load %arg8[%swap3A_150] {strides = array<i32>} : memref<80xi32, #tpu.memory_space<vmem>>, vector<16xi32>,
    %swap3A_152 = vector.shape_cast %swap3A_151 : vector<16xi32> to vector<16xi32>
    %swap3A_153 = vector.shape_cast %shift_right_logical3A_149 : vector<16xi32> to vector<16xi32>
    tpu.vector_store %arg8[%swap3A_150], %swap3A_153 {strides = array<i32>} : memref<80xi32, #tpu.memory_space<vmem>>, vector<16xi32>,
    %and3A_154 = arith.constant 65535 : i32
    %and3A_155 = vector.broadcast %and3A_154 : i32 to vector<16xi32>
    %and3A_156 = arith.andi %get3A_146, %and3A_155 : vector<16xi32>
    %swap3A_157 = arith.constant 48 : index
    %swap3A_158 = tpu.vector_load %arg11[%swap3A_157] {strides = array<i32>} : memref<80xi32, #tpu.memory_space<vmem>>, vector<16xi32>,
    %swap3A_159 = vector.shape_cast %swap3A_158 : vector<16xi32> to vector<16xi32>
    %swap3A_160 = vector.shape_cast %and3A_156 : vector<16xi32> to vector<16xi32>
    tpu.vector_store %arg11[%swap3A_157], %swap3A_160 {strides = array<i32>} : memref<80xi32, #tpu.memory_space<vmem>>, vector<16xi32>,
    %get3A_161 = arith.constant 144 : index
    %get3A_162 = tpu.vector_load %arg6[%get3A_161] {strides = array<i32>} : memref<10000xi32, #tpu.memory_space<vmem>>, vector<16xi32>,
    %get3A_163 = vector.shape_cast %get3A_162 : vector<16xi32> to vector<16xi32>
    %shift_right_logical3A_164 = arith.constant 16 : i32
    %shift_right_logical3A_165 = vector.broadcast %shift_right_logical3A_164 : i32 to vector<16xi32>
    %shift_right_logical3A_166 = arith.shrui %get3A_163, %shift_right_logical3A_165 : vector<16xi32>
    %swap3A_167 = arith.constant 64 : index
    %swap3A_168 = tpu.vector_load %arg8[%swap3A_167] {strides = array<i32>} : memref<80xi32, #tpu.memory_space<vmem>>, vector<16xi32>,
    %swap3A_169 = vector.shape_cast %swap3A_168 : vector<16xi32> to vector<16xi32>
    %swap3A_170 = vector.shape_cast %shift_right_logical3A_166 : vector<16xi32> to vector<16xi32>
    tpu.vector_store %arg8[%swap3A_167], %swap3A_170 {strides = array<i32>} : memref<80xi32, #tpu.memory_space<vmem>>, vector<16xi32>,
    %and3A_171 = arith.constant 65535 : i32
    %and3A_172 = vector.broadcast %and3A_171 : i32 to vector<16xi32>
    %and3A_173 = arith.andi %get3A_163, %and3A_172 : vector<16xi32>
    %swap3A_174 = arith.constant 64 : index
    %swap3A_175 = tpu.vector_load %arg11[%swap3A_174] {strides = array<i32>} : memref<80xi32, #tpu.memory_space<vmem>>, vector<16xi32>,
    %swap3A_176 = vector.shape_cast %swap3A_175 : vector<16xi32> to vector<16xi32>
    %swap3A_177 = vector.shape_cast %and3A_173 : vector<16xi32> to vector<16xi32>
    tpu.vector_store %arg11[%swap3A_174], %swap3A_177 {strides = array<i32>} : memref<80xi32, #tpu.memory_space<vmem>>, vector<16xi32>,
    %dma_start3A_178 = arith.constant 0 : i32
    %dma_start3A_179 = arith.constant 0 : i32
    %dma_start3A_180 = tpu.memref_slice %arg3[%dma_start3A_178, %dma_start3A_179] : memref<10000x128xf32, #tpu.memory_space<hbm>> -> memref<10000x128xf32, #tpu.memory_space<hbm>>
    tpu.enqueue_indirect_dma source(%dma_start3A_180 : memref<10000x128xf32, #tpu.memory_space<hbm>>) target(%arg14 : memref<80x128xf32, #tpu.memory_space<vmem>>) offsets(%arg8 : memref<80xi32, #tpu.memory_space<vmem>>) semaphore(%arg17 : memref<!tpu.dma_semaphore, #tpu.memory_space<semaphore_mem>>)
    %get3A_181 = arith.constant 160 : index
    %get3A_182 = tpu.vector_load %arg6[%get3A_181] {strides = array<i32>} : memref<10000xi32, #tpu.memory_space<vmem>>, vector<16xi32>,
    %get3A_183 = vector.shape_cast %get3A_182 : vector<16xi32> to vector<16xi32>
    %shift_right_logical3A_184 = arith.constant 16 : i32
    %shift_right_logical3A_185 = vector.broadcast %shift_right_logical3A_184 : i32 to vector<16xi32>
    %shift_right_logical3A_186 = arith.shrui %get3A_183, %shift_right_logical3A_185 : vector<16xi32>
    %swap3A_187 = arith.constant 0 : index
    %swap3A_188 = tpu.vector_load %arg9[%swap3A_187] {strides = array<i32>} : memref<80xi32, #tpu.memory_space<vmem>>, vector<16xi32>,
    %swap3A_189 = vector.shape_cast %swap3A_188 : vector<16xi32> to vector<16xi32>
    %swap3A_190 = vector.shape_cast %shift_right_logical3A_186 : vector<16xi32> to vector<16xi32>
    tpu.vector_store %arg9[%swap3A_187], %swap3A_190 {strides = array<i32>} : memref<80xi32, #tpu.memory_space<vmem>>, vector<16xi32>,
    %and3A_191 = arith.constant 65535 : i32
    %and3A_192 = vector.broadcast %and3A_191 : i32 to vector<16xi32>
    %and3A_193 = arith.andi %get3A_183, %and3A_192 : vector<16xi32>
    %swap3A_194 = arith.constant 0 : index
    %swap3A_195 = tpu.vector_load %arg12[%swap3A_194] {strides = array<i32>} : memref<80xi32, #tpu.memory_space<vmem>>, vector<16xi32>,
    %swap3A_196 = vector.shape_cast %swap3A_195 : vector<16xi32> to vector<16xi32>
    %swap3A_197 = vector.shape_cast %and3A_193 : vector<16xi32> to vector<16xi32>
    tpu.vector_store %arg12[%swap3A_194], %swap3A_197 {strides = array<i32>} : memref<80xi32, #tpu.memory_space<vmem>>, vector<16xi32>,
    %get3A_198 = arith.constant 176 : index
    %get3A_199 = tpu.vector_load %arg6[%get3A_198] {strides = array<i32>} : memref<10000xi32, #tpu.memory_space<vmem>>, vector<16xi32>,
    %get3A_200 = vector.shape_cast %get3A_199 : vector<16xi32> to vector<16xi32>
    %shift_right_logical3A_201 = arith.constant 16 : i32
    %shift_right_logical3A_202 = vector.broadcast %shift_right_logical3A_201 : i32 to vector<16xi32>
    %shift_right_logical3A_203 = arith.shrui %get3A_200, %shift_right_logical3A_202 : vector<16xi32>
    %swap3A_204 = arith.constant 16 : index
    %swap3A_205 = tpu.vector_load %arg9[%swap3A_204] {strides = array<i32>} : memref<80xi32, #tpu.memory_space<vmem>>, vector<16xi32>,
    %swap3A_206 = vector.shape_cast %swap3A_205 : vector<16xi32> to vector<16xi32>
    %swap3A_207 = vector.shape_cast %shift_right_logical3A_203 : vector<16xi32> to vector<16xi32>
    tpu.vector_store %arg9[%swap3A_204], %swap3A_207 {strides = array<i32>} : memref<80xi32, #tpu.memory_space<vmem>>, vector<16xi32>,
    %and3A_208 = arith.constant 65535 : i32
    %and3A_209 = vector.broadcast %and3A_208 : i32 to vector<16xi32>
    %and3A_210 = arith.andi %get3A_200, %and3A_209 : vector<16xi32>
    %swap3A_211 = arith.constant 16 : index
    %swap3A_212 = tpu.vector_load %arg12[%swap3A_211] {strides = array<i32>} : memref<80xi32, #tpu.memory_space<vmem>>, vector<16xi32>,
    %swap3A_213 = vector.shape_cast %swap3A_212 : vector<16xi32> to vector<16xi32>
    %swap3A_214 = vector.shape_cast %and3A_210 : vector<16xi32> to vector<16xi32>
    tpu.vector_store %arg12[%swap3A_211], %swap3A_214 {strides = array<i32>} : memref<80xi32, #tpu.memory_space<vmem>>, vector<16xi32>,
    %get3A_215 = arith.constant 192 : index
    %get3A_216 = tpu.vector_load %arg6[%get3A_215] {strides = array<i32>} : memref<10000xi32, #tpu.memory_space<vmem>>, vector<16xi32>,
    %get3A_217 = vector.shape_cast %get3A_216 : vector<16xi32> to vector<16xi32>
    %shift_right_logical3A_218 = arith.constant 16 : i32
    %shift_right_logical3A_219 = vector.broadcast %shift_right_logical3A_218 : i32 to vector<16xi32>
    %shift_right_logical3A_220 = arith.shrui %get3A_217, %shift_right_logical3A_219 : vector<16xi32>
    %swap3A_221 = arith.constant 32 : index
    %swap3A_222 = tpu.vector_load %arg9[%swap3A_221] {strides = array<i32>} : memref<80xi32, #tpu.memory_space<vmem>>, vector<16xi32>,
    %swap3A_223 = vector.shape_cast %swap3A_222 : vector<16xi32> to vector<16xi32>
    %swap3A_224 = vector.shape_cast %shift_right_logical3A_220 : vector<16xi32> to vector<16xi32>
    tpu.vector_store %arg9[%swap3A_221], %swap3A_224 {strides = array<i32>} : memref<80xi32, #tpu.memory_space<vmem>>, vector<16xi32>,
    %and3A_225 = arith.constant 65535 : i32
    %and3A_226 = vector.broadcast %and3A_225 : i32 to vector<16xi32>
    %and3A_227 = arith.andi %get3A_217, %and3A_226 : vector<16xi32>
    %swap3A_228 = arith.constant 32 : index
    %swap3A_229 = tpu.vector_load %arg12[%swap3A_228] {strides = array<i32>} : memref<80xi32, #tpu.memory_space<vmem>>, vector<16xi32>,
    %swap3A_230 = vector.shape_cast %swap3A_229 : vector<16xi32> to vector<16xi32>
    %swap3A_231 = vector.shape_cast %and3A_227 : vector<16xi32> to vector<16xi32>
    tpu.vector_store %arg12[%swap3A_228], %swap3A_231 {strides = array<i32>} : memref<80xi32, #tpu.memory_space<vmem>>, vector<16xi32>,
    %get3A_232 = arith.constant 208 : index
    %get3A_233 = tpu.vector_load %arg6[%get3A_232] {strides = array<i32>} : memref<10000xi32, #tpu.memory_space<vmem>>, vector<16xi32>,
    %get3A_234 = vector.shape_cast %get3A_233 : vector<16xi32> to vector<16xi32>
    %shift_right_logical3A_235 = arith.constant 16 : i32
    %shift_right_logical3A_236 = vector.broadcast %shift_right_logical3A_235 : i32 to vector<16xi32>
    %shift_right_logical3A_237 = arith.shrui %get3A_234, %shift_right_logical3A_236 : vector<16xi32>
    %swap3A_238 = arith.constant 48 : index
    %swap3A_239 = tpu.vector_load %arg9[%swap3A_238] {strides = array<i32>} : memref<80xi32, #tpu.memory_space<vmem>>, vector<16xi32>,
    %swap3A_240 = vector.shape_cast %swap3A_239 : vector<16xi32> to vector<16xi32>
    %swap3A_241 = vector.shape_cast %shift_right_logical3A_237 : vector<16xi32> to vector<16xi32>
    tpu.vector_store %arg9[%swap3A_238], %swap3A_241 {strides = array<i32>} : memref<80xi32, #tpu.memory_space<vmem>>, vector<16xi32>,
    %and3A_242 = arith.constant 65535 : i32
    %and3A_243 = vector.broadcast %and3A_242 : i32 to vector<16xi32>
    %and3A_244 = arith.andi %get3A_234, %and3A_243 : vector<16xi32>
    %swap3A_245 = arith.constant 48 : index
    %swap3A_246 = tpu.vector_load %arg12[%swap3A_245] {strides = array<i32>} : memref<80xi32, #tpu.memory_space<vmem>>, vector<16xi32>,
    %swap3A_247 = vector.shape_cast %swap3A_246 : vector<16xi32> to vector<16xi32>
    %swap3A_248 = vector.shape_cast %and3A_244 : vector<16xi32> to vector<16xi32>
    tpu.vector_store %arg12[%swap3A_245], %swap3A_248 {strides = array<i32>} : memref<80xi32, #tpu.memory_space<vmem>>, vector<16xi32>,
    %get3A_249 = arith.constant 224 : index
    %get3A_250 = tpu.vector_load %arg6[%get3A_249] {strides = array<i32>} : memref<10000xi32, #tpu.memory_space<vmem>>, vector<16xi32>,
    %get3A_251 = vector.shape_cast %get3A_250 : vector<16xi32> to vector<16xi32>
    %shift_right_logical3A_252 = arith.constant 16 : i32
    %shift_right_logical3A_253 = vector.broadcast %shift_right_logical3A_252 : i32 to vector<16xi32>
    %shift_right_logical3A_254 = arith.shrui %get3A_251, %shift_right_logical3A_253 : vector<16xi32>
    %swap3A_255 = arith.constant 64 : index
    %swap3A_256 = tpu.vector_load %arg9[%swap3A_255] {strides = array<i32>} : memref<80xi32, #tpu.memory_space<vmem>>, vector<16xi32>,
    %swap3A_257 = vector.shape_cast %swap3A_256 : vector<16xi32> to vector<16xi32>
    %swap3A_258 = vector.shape_cast %shift_right_logical3A_254 : vector<16xi32> to vector<16xi32>
    tpu.vector_store %arg9[%swap3A_255], %swap3A_258 {strides = array<i32>} : memref<80xi32, #tpu.memory_space<vmem>>, vector<16xi32>,
    %and3A_259 = arith.constant 65535 : i32
    %and3A_260 = vector.broadcast %and3A_259 : i32 to vector<16xi32>
    %and3A_261 = arith.andi %get3A_251, %and3A_260 : vector<16xi32>
    %swap3A_262 = arith.constant 64 : index
    %swap3A_263 = tpu.vector_load %arg12[%swap3A_262] {strides = array<i32>} : memref<80xi32, #tpu.memory_space<vmem>>, vector<16xi32>,
    %swap3A_264 = vector.shape_cast %swap3A_263 : vector<16xi32> to vector<16xi32>
    %swap3A_265 = vector.shape_cast %and3A_261 : vector<16xi32> to vector<16xi32>
    tpu.vector_store %arg12[%swap3A_262], %swap3A_265 {strides = array<i32>} : memref<80xi32, #tpu.memory_space<vmem>>, vector<16xi32>,
    %dma_start3A_266 = arith.constant 0 : i32
    %dma_start3A_267 = arith.constant 0 : i32
    %dma_start3A_268 = tpu.memref_slice %arg3[%dma_start3A_266, %dma_start3A_267] : memref<10000x128xf32, #tpu.memory_space<hbm>> -> memref<10000x128xf32, #tpu.memory_space<hbm>>
    tpu.enqueue_indirect_dma source(%dma_start3A_268 : memref<10000x128xf32, #tpu.memory_space<hbm>>) target(%arg15 : memref<80x128xf32, #tpu.memory_space<vmem>>) offsets(%arg9 : memref<80xi32, #tpu.memory_space<vmem>>) semaphore(%arg18 : memref<!tpu.dma_semaphore, #tpu.memory_space<semaphore_mem>>)
    %scan3A_269 = arith.constant 0 : i32
    %scan3A_270 = arith.constant 41 : i32
    %scan3A_271 = arith.addi %scan3A_269, %scan3A_270 : i32
    %scan3A_272 = arith.constant 1 : i32
    scf.for %scan3A_284 = %scan3A_269 to %scan3A_271 step %scan3A_272  : i32 {
      %mul3A_285 = arith.constant 3 : i32
      %mul3A_286 = arith.muli %scan3A_284, %mul3A_285 : i32
      %add3A_287 = arith.constant 0 : i32
      %add3A_288 = arith.addi %add3A_287, %mul3A_286 : i32
      %dma_wait3A_289 = arith.constant 0 : i32
      %dma_wait3A_290 = arith.constant 0 : i32
      %dma_wait3A_291 = tpu.memref_slice %arg3[%dma_wait3A_289, %dma_wait3A_290] : memref<10000x128xf32, #tpu.memory_space<hbm>> -> memref<10000x128xf32, #tpu.memory_space<hbm>>
      tpu.wait_indirect_dma semaphore(%arg16 : memref<!tpu.dma_semaphore, #tpu.memory_space<semaphore_mem>>) src(%dma_wait3A_291 : memref<10000x128xf32, #tpu.memory_space<hbm>>) dst(%arg13 : memref<80x128xf32, #tpu.memory_space<vmem>>)
      "tpu.region"() ({
        %run_scoped3A = tpu.sem_alloc : memref<!tpu.dma_semaphore, #tpu.memory_space<semaphore_mem>>
        %dma_start3A_322 = arith.constant 0 : i32
        %dma_start3A_323 = arith.constant 0 : i32
        %dma_start3A_324 = tpu.memref_slice %arg20[%dma_start3A_322, %dma_start3A_323] : memref<10112x128xf32, #tpu.memory_space<vmem_shared>> -> memref<10112x128xf32, #tpu.memory_space<vmem_shared>>
        tpu.enqueue_indirect_dma source(%arg13 : memref<80x128xf32, #tpu.memory_space<vmem>>) target(%dma_start3A_324 : memref<10112x128xf32, #tpu.memory_space<vmem_shared>>) offsets(%arg10 : memref<80xi32, #tpu.memory_space<vmem>>) semaphore(%run_scoped3A : memref<!tpu.dma_semaphore, #tpu.memory_space<semaphore_mem>>) {add = true}
        %dma_wait3A_325 = arith.constant 0 : i32
        %dma_wait3A_326 = arith.constant 0 : i32
        %dma_wait3A_327 = tpu.memref_slice %arg20[%dma_wait3A_325, %dma_wait3A_326] : memref<10112x128xf32, #tpu.memory_space<vmem_shared>> -> memref<10112x128xf32, #tpu.memory_space<vmem_shared>>
        tpu.wait_indirect_dma semaphore(%run_scoped3A : memref<!tpu.dma_semaphore, #tpu.memory_space<semaphore_mem>>) src(%arg13 : memref<80x128xf32, #tpu.memory_space<vmem>>) dst(%dma_wait3A_327 : memref<10112x128xf32, #tpu.memory_space<vmem_shared>>)
        tpu.yield
      }) : () -> ()
      %add3A_292 = arith.constant 0 : i32
      %add3A_293 = arith.addi %add3A_288, %add3A_292 : i32
      %add3A_294 = arith.constant 3 : i32
      %add3A_295 = arith.addi %add3A_293, %add3A_294 : i32
      %lt3A = arith.constant 125 : i32
      %lt3A_296 = arith.cmpi slt, %add3A_295, %lt3A : i32
      %convert_element_type3A = arith.extui %lt3A_296 : i1 to i32
      %cond3A = arith.constant 0 : i32
      %cond3A_297 = arith.cmpi ne, %convert_element_type3A, %cond3A : i32
      scf.if %cond3A_297 {
        %mul3A_322 = arith.constant 80 : i32
        %mul3A_323 = arith.muli %add3A_295, %mul3A_322 : i32
        %add3A_324 = arith.constant 0 : i32
        %add3A_325 = arith.addi %mul3A_323, %add3A_324 : i32
        %get3A_326 = arith.index_cast %add3A_325 : i32 to index
        %get3A_327 = tpu.vector_load %arg6[%get3A_326] {strides = array<i32>} : memref<10000xi32, #tpu.memory_space<vmem>>, vector<16xi32>,
        %get3A_328 = vector.shape_cast %get3A_327 : vector<16xi32> to vector<16xi32>
        %shift_right_logical3A_329 = arith.constant 16 : i32
        %shift_right_logical3A_330 = vector.broadcast %shift_right_logical3A_329 : i32 to vector<16xi32>
        %shift_right_logical3A_331 = arith.shrui %get3A_328, %shift_right_logical3A_330 : vector<16xi32>
        %swap3A_332 = arith.constant 0 : index
        %swap3A_333 = tpu.vector_load %arg7[%swap3A_332] {strides = array<i32>} : memref<80xi32, #tpu.memory_space<vmem>>, vector<16xi32>,
        %swap3A_334 = vector.shape_cast %swap3A_333 : vector<16xi32> to vector<16xi32>
        %swap3A_335 = vector.shape_cast %shift_right_logical3A_331 : vector<16xi32> to vector<16xi32>
        tpu.vector_store %arg7[%swap3A_332], %swap3A_335 {strides = array<i32>} : memref<80xi32, #tpu.memory_space<vmem>>, vector<16xi32>,
        %and3A_336 = arith.constant 65535 : i32
        %and3A_337 = vector.broadcast %and3A_336 : i32 to vector<16xi32>
        %and3A_338 = arith.andi %get3A_328, %and3A_337 : vector<16xi32>
        %swap3A_339 = arith.constant 0 : index
        %swap3A_340 = tpu.vector_load %arg10[%swap3A_339] {strides = array<i32>} : memref<80xi32, #tpu.memory_space<vmem>>, vector<16xi32>,
        %swap3A_341 = vector.shape_cast %swap3A_340 : vector<16xi32> to vector<16xi32>
        %swap3A_342 = vector.shape_cast %and3A_338 : vector<16xi32> to vector<16xi32>
        tpu.vector_store %arg10[%swap3A_339], %swap3A_342 {strides = array<i32>} : memref<80xi32, #tpu.memory_space<vmem>>, vector<16xi32>,
        %mul3A_343 = arith.constant 80 : i32
        %mul3A_344 = arith.muli %add3A_295, %mul3A_343 : i32
        %add3A_345 = arith.constant 16 : i32
        %add3A_346 = arith.addi %mul3A_344, %add3A_345 : i32
        %get3A_347 = arith.index_cast %add3A_346 : i32 to index
        %get3A_348 = tpu.vector_load %arg6[%get3A_347] {strides = array<i32>} : memref<10000xi32, #tpu.memory_space<vmem>>, vector<16xi32>,
        %get3A_349 = vector.shape_cast %get3A_348 : vector<16xi32> to vector<16xi32>
        %shift_right_logical3A_350 = arith.constant 16 : i32
        %shift_right_logical3A_351 = vector.broadcast %shift_right_logical3A_350 : i32 to vector<16xi32>
        %shift_right_logical3A_352 = arith.shrui %get3A_349, %shift_right_logical3A_351 : vector<16xi32>
        %swap3A_353 = arith.constant 16 : index
        %swap3A_354 = tpu.vector_load %arg7[%swap3A_353] {strides = array<i32>} : memref<80xi32, #tpu.memory_space<vmem>>, vector<16xi32>,
        %swap3A_355 = vector.shape_cast %swap3A_354 : vector<16xi32> to vector<16xi32>
        %swap3A_356 = vector.shape_cast %shift_right_logical3A_352 : vector<16xi32> to vector<16xi32>
        tpu.vector_store %arg7[%swap3A_353], %swap3A_356 {strides = array<i32>} : memref<80xi32, #tpu.memory_space<vmem>>, vector<16xi32>,
        %and3A_357 = arith.constant 65535 : i32
        %and3A_358 = vector.broadcast %and3A_357 : i32 to vector<16xi32>
        %and3A_359 = arith.andi %get3A_349, %and3A_358 : vector<16xi32>
        %swap3A_360 = arith.constant 16 : index
        %swap3A_361 = tpu.vector_load %arg10[%swap3A_360] {strides = array<i32>} : memref<80xi32, #tpu.memory_space<vmem>>, vector<16xi32>,
        %swap3A_362 = vector.shape_cast %swap3A_361 : vector<16xi32> to vector<16xi32>
        %swap3A_363 = vector.shape_cast %and3A_359 : vector<16xi32> to vector<16xi32>
        tpu.vector_store %arg10[%swap3A_360], %swap3A_363 {strides = array<i32>} : memref<80xi32, #tpu.memory_space<vmem>>, vector<16xi32>,
        %mul3A_364 = arith.constant 80 : i32
        %mul3A_365 = arith.muli %add3A_295, %mul3A_364 : i32
        %add3A_366 = arith.constant 32 : i32
        %add3A_367 = arith.addi %mul3A_365, %add3A_366 : i32
        %get3A_368 = arith.index_cast %add3A_367 : i32 to index
        %get3A_369 = tpu.vector_load %arg6[%get3A_368] {strides = array<i32>} : memref<10000xi32, #tpu.memory_space<vmem>>, vector<16xi32>,
        %get3A_370 = vector.shape_cast %get3A_369 : vector<16xi32> to vector<16xi32>
        %shift_right_logical3A_371 = arith.constant 16 : i32
        %shift_right_logical3A_372 = vector.broadcast %shift_right_logical3A_371 : i32 to vector<16xi32>
        %shift_right_logical3A_373 = arith.shrui %get3A_370, %shift_right_logical3A_372 : vector<16xi32>
        %swap3A_374 = arith.constant 32 : index
        %swap3A_375 = tpu.vector_load %arg7[%swap3A_374] {strides = array<i32>} : memref<80xi32, #tpu.memory_space<vmem>>, vector<16xi32>,
        %swap3A_376 = vector.shape_cast %swap3A_375 : vector<16xi32> to vector<16xi32>
        %swap3A_377 = vector.shape_cast %shift_right_logical3A_373 : vector<16xi32> to vector<16xi32>
        tpu.vector_store %arg7[%swap3A_374], %swap3A_377 {strides = array<i32>} : memref<80xi32, #tpu.memory_space<vmem>>, vector<16xi32>,
        %and3A_378 = arith.constant 65535 : i32
        %and3A_379 = vector.broadcast %and3A_378 : i32 to vector<16xi32>
        %and3A_380 = arith.andi %get3A_370, %and3A_379 : vector<16xi32>
        %swap3A_381 = arith.constant 32 : index
        %swap3A_382 = tpu.vector_load %arg10[%swap3A_381] {strides = array<i32>} : memref<80xi32, #tpu.memory_space<vmem>>, vector<16xi32>,
        %swap3A_383 = vector.shape_cast %swap3A_382 : vector<16xi32> to vector<16xi32>
        %swap3A_384 = vector.shape_cast %and3A_380 : vector<16xi32> to vector<16xi32>
        tpu.vector_store %arg10[%swap3A_381], %swap3A_384 {strides = array<i32>} : memref<80xi32, #tpu.memory_space<vmem>>, vector<16xi32>,
        %mul3A_385 = arith.constant 80 : i32
        %mul3A_386 = arith.muli %add3A_295, %mul3A_385 : i32
        %add3A_387 = arith.constant 48 : i32
        %add3A_388 = arith.addi %mul3A_386, %add3A_387 : i32
        %get3A_389 = arith.index_cast %add3A_388 : i32 to index
        %get3A_390 = tpu.vector_load %arg6[%get3A_389] {strides = array<i32>} : memref<10000xi32, #tpu.memory_space<vmem>>, vector<16xi32>,
        %get3A_391 = vector.shape_cast %get3A_390 : vector<16xi32> to vector<16xi32>
        %shift_right_logical3A_392 = arith.constant 16 : i32
        %shift_right_logical3A_393 = vector.broadcast %shift_right_logical3A_392 : i32 to vector<16xi32>
        %shift_right_logical3A_394 = arith.shrui %get3A_391, %shift_right_logical3A_393 : vector<16xi32>
        %swap3A_395 = arith.constant 48 : index
        %swap3A_396 = tpu.vector_load %arg7[%swap3A_395] {strides = array<i32>} : memref<80xi32, #tpu.memory_space<vmem>>, vector<16xi32>,
        %swap3A_397 = vector.shape_cast %swap3A_396 : vector<16xi32> to vector<16xi32>
        %swap3A_398 = vector.shape_cast %shift_right_logical3A_394 : vector<16xi32> to vector<16xi32>
        tpu.vector_store %arg7[%swap3A_395], %swap3A_398 {strides = array<i32>} : memref<80xi32, #tpu.memory_space<vmem>>, vector<16xi32>,
        %and3A_399 = arith.constant 65535 : i32
        %and3A_400 = vector.broadcast %and3A_399 : i32 to vector<16xi32>
        %and3A_401 = arith.andi %get3A_391, %and3A_400 : vector<16xi32>
        %swap3A_402 = arith.constant 48 : index
        %swap3A_403 = tpu.vector_load %arg10[%swap3A_402] {strides = array<i32>} : memref<80xi32, #tpu.memory_space<vmem>>, vector<16xi32>,
        %swap3A_404 = vector.shape_cast %swap3A_403 : vector<16xi32> to vector<16xi32>
        %swap3A_405 = vector.shape_cast %and3A_401 : vector<16xi32> to vector<16xi32>
        tpu.vector_store %arg10[%swap3A_402], %swap3A_405 {strides = array<i32>} : memref<80xi32, #tpu.memory_space<vmem>>, vector<16xi32>,
        %mul3A_406 = arith.constant 80 : i32
        %mul3A_407 = arith.muli %add3A_295, %mul3A_406 : i32
        %add3A_408 = arith.constant 64 : i32
        %add3A_409 = arith.addi %mul3A_407, %add3A_408 : i32
        %get3A_410 = arith.index_cast %add3A_409 : i32 to index
        %get3A_411 = tpu.vector_load %arg6[%get3A_410] {strides = array<i32>} : memref<10000xi32, #tpu.memory_space<vmem>>, vector<16xi32>,
        %get3A_412 = vector.shape_cast %get3A_411 : vector<16xi32> to vector<16xi32>
        %shift_right_logical3A_413 = arith.constant 16 : i32
        %shift_right_logical3A_414 = vector.broadcast %shift_right_logical3A_413 : i32 to vector<16xi32>
        %shift_right_logical3A_415 = arith.shrui %get3A_412, %shift_right_logical3A_414 : vector<16xi32>
        %swap3A_416 = arith.constant 64 : index
        %swap3A_417 = tpu.vector_load %arg7[%swap3A_416] {strides = array<i32>} : memref<80xi32, #tpu.memory_space<vmem>>, vector<16xi32>,
        %swap3A_418 = vector.shape_cast %swap3A_417 : vector<16xi32> to vector<16xi32>
        %swap3A_419 = vector.shape_cast %shift_right_logical3A_415 : vector<16xi32> to vector<16xi32>
        tpu.vector_store %arg7[%swap3A_416], %swap3A_419 {strides = array<i32>} : memref<80xi32, #tpu.memory_space<vmem>>, vector<16xi32>,
        %and3A_420 = arith.constant 65535 : i32
        %and3A_421 = vector.broadcast %and3A_420 : i32 to vector<16xi32>
        %and3A_422 = arith.andi %get3A_412, %and3A_421 : vector<16xi32>
        %swap3A_423 = arith.constant 64 : index
        %swap3A_424 = tpu.vector_load %arg10[%swap3A_423] {strides = array<i32>} : memref<80xi32, #tpu.memory_space<vmem>>, vector<16xi32>,
        %swap3A_425 = vector.shape_cast %swap3A_424 : vector<16xi32> to vector<16xi32>
        %swap3A_426 = vector.shape_cast %and3A_422 : vector<16xi32> to vector<16xi32>
        tpu.vector_store %arg10[%swap3A_423], %swap3A_426 {strides = array<i32>} : memref<80xi32, #tpu.memory_space<vmem>>, vector<16xi32>,
        %dma_start3A_427 = arith.constant 0 : i32
        %dma_start3A_428 = arith.constant 0 : i32
        %dma_start3A_429 = tpu.memref_slice %arg3[%dma_start3A_427, %dma_start3A_428] : memref<10000x128xf32, #tpu.memory_space<hbm>> -> memref<10000x128xf32, #tpu.memory_space<hbm>>
        tpu.enqueue_indirect_dma source(%dma_start3A_429 : memref<10000x128xf32, #tpu.memory_space<hbm>>) target(%arg13 : memref<80x128xf32, #tpu.memory_space<vmem>>) offsets(%arg7 : memref<80xi32, #tpu.memory_space<vmem>>) semaphore(%arg16 : memref<!tpu.dma_semaphore, #tpu.memory_space<semaphore_mem>>)
      } else {
      }
      %dma_wait3A_298 = arith.constant 0 : i32
      %dma_wait3A_299 = arith.constant 0 : i32
      %dma_wait3A_300 = tpu.memref_slice %arg3[%dma_wait3A_298, %dma_wait3A_299] : memref<10000x128xf32, #tpu.memory_space<hbm>> -> memref<10000x128xf32, #tpu.memory_space<hbm>>
      tpu.wait_indirect_dma semaphore(%arg17 : memref<!tpu.dma_semaphore, #tpu.memory_space<semaphore_mem>>) src(%dma_wait3A_300 : memref<10000x128xf32, #tpu.memory_space<hbm>>) dst(%arg14 : memref<80x128xf32, #tpu.memory_space<vmem>>)
      "tpu.region"() ({
        %run_scoped3A = tpu.sem_alloc : memref<!tpu.dma_semaphore, #tpu.memory_space<semaphore_mem>>
        %dma_start3A_322 = arith.constant 0 : i32
        %dma_start3A_323 = arith.constant 0 : i32
        %dma_start3A_324 = tpu.memref_slice %arg20[%dma_start3A_322, %dma_start3A_323] : memref<10112x128xf32, #tpu.memory_space<vmem_shared>> -> memref<10112x128xf32, #tpu.memory_space<vmem_shared>>
        tpu.enqueue_indirect_dma source(%arg14 : memref<80x128xf32, #tpu.memory_space<vmem>>) target(%dma_start3A_324 : memref<10112x128xf32, #tpu.memory_space<vmem_shared>>) offsets(%arg11 : memref<80xi32, #tpu.memory_space<vmem>>) semaphore(%run_scoped3A : memref<!tpu.dma_semaphore, #tpu.memory_space<semaphore_mem>>) {add = true}
        %dma_wait3A_325 = arith.constant 0 : i32
        %dma_wait3A_326 = arith.constant 0 : i32
        %dma_wait3A_327 = tpu.memref_slice %arg20[%dma_wait3A_325, %dma_wait3A_326] : memref<10112x128xf32, #tpu.memory_space<vmem_shared>> -> memref<10112x128xf32, #tpu.memory_space<vmem_shared>>
        tpu.wait_indirect_dma semaphore(%run_scoped3A : memref<!tpu.dma_semaphore, #tpu.memory_space<semaphore_mem>>) src(%arg14 : memref<80x128xf32, #tpu.memory_space<vmem>>) dst(%dma_wait3A_327 : memref<10112x128xf32, #tpu.memory_space<vmem_shared>>)
        tpu.yield
      }) : () -> ()
      %add3A_301 = arith.constant 1 : i32
      %add3A_302 = arith.addi %add3A_288, %add3A_301 : i32
      %add3A_303 = arith.constant 3 : i32
      %add3A_304 = arith.addi %add3A_302, %add3A_303 : i32
      %lt3A_305 = arith.constant 125 : i32
      %lt3A_306 = arith.cmpi slt, %add3A_304, %lt3A_305 : i32
      %convert_element_type3A_307 = arith.extui %lt3A_306 : i1 to i32
      %cond3A_308 = arith.constant 0 : i32
      %cond3A_309 = arith.cmpi ne, %convert_element_type3A_307, %cond3A_308 : i32
      scf.if %cond3A_309 {
        %mul3A_322 = arith.constant 80 : i32
        %mul3A_323 = arith.muli %add3A_304, %mul3A_322 : i32
        %add3A_324 = arith.constant 0 : i32
        %add3A_325 = arith.addi %mul3A_323, %add3A_324 : i32
        %get3A_326 = arith.index_cast %add3A_325 : i32 to index
        %get3A_327 = tpu.vector_load %arg6[%get3A_326] {strides = array<i32>} : memref<10000xi32, #tpu.memory_space<vmem>>, vector<16xi32>,
        %get3A_328 = vector.shape_cast %get3A_327 : vector<16xi32> to vector<16xi32>
        %shift_right_logical3A_329 = arith.constant 16 : i32
        %shift_right_logical3A_330 = vector.broadcast %shift_right_logical3A_329 : i32 to vector<16xi32>
        %shift_right_logical3A_331 = arith.shrui %get3A_328, %shift_right_logical3A_330 : vector<16xi32>
        %swap3A_332 = arith.constant 0 : index
        %swap3A_333 = tpu.vector_load %arg8[%swap3A_332] {strides = array<i32>} : memref<80xi32, #tpu.memory_space<vmem>>, vector<16xi32>,
        %swap3A_334 = vector.shape_cast %swap3A_333 : vector<16xi32> to vector<16xi32>
        %swap3A_335 = vector.shape_cast %shift_right_logical3A_331 : vector<16xi32> to vector<16xi32>
        tpu.vector_store %arg8[%swap3A_332], %swap3A_335 {strides = array<i32>} : memref<80xi32, #tpu.memory_space<vmem>>, vector<16xi32>,
        %and3A_336 = arith.constant 65535 : i32
        %and3A_337 = vector.broadcast %and3A_336 : i32 to vector<16xi32>
        %and3A_338 = arith.andi %get3A_328, %and3A_337 : vector<16xi32>
        %swap3A_339 = arith.constant 0 : index
        %swap3A_340 = tpu.vector_load %arg11[%swap3A_339] {strides = array<i32>} : memref<80xi32, #tpu.memory_space<vmem>>, vector<16xi32>,
        %swap3A_341 = vector.shape_cast %swap3A_340 : vector<16xi32> to vector<16xi32>
        %swap3A_342 = vector.shape_cast %and3A_338 : vector<16xi32> to vector<16xi32>
        tpu.vector_store %arg11[%swap3A_339], %swap3A_342 {strides = array<i32>} : memref<80xi32, #tpu.memory_space<vmem>>, vector<16xi32>,
        %mul3A_343 = arith.constant 80 : i32
        %mul3A_344 = arith.muli %add3A_304, %mul3A_343 : i32
        %add3A_345 = arith.constant 16 : i32
        %add3A_346 = arith.addi %mul3A_344, %add3A_345 : i32
        %get3A_347 = arith.index_cast %add3A_346 : i32 to index
        %get3A_348 = tpu.vector_load %arg6[%get3A_347] {strides = array<i32>} : memref<10000xi32, #tpu.memory_space<vmem>>, vector<16xi32>,
        %get3A_349 = vector.shape_cast %get3A_348 : vector<16xi32> to vector<16xi32>
        %shift_right_logical3A_350 = arith.constant 16 : i32
        %shift_right_logical3A_351 = vector.broadcast %shift_right_logical3A_350 : i32 to vector<16xi32>
        %shift_right_logical3A_352 = arith.shrui %get3A_349, %shift_right_logical3A_351 : vector<16xi32>
        %swap3A_353 = arith.constant 16 : index
        %swap3A_354 = tpu.vector_load %arg8[%swap3A_353] {strides = array<i32>} : memref<80xi32, #tpu.memory_space<vmem>>, vector<16xi32>,
        %swap3A_355 = vector.shape_cast %swap3A_354 : vector<16xi32> to vector<16xi32>
        %swap3A_356 = vector.shape_cast %shift_right_logical3A_352 : vector<16xi32> to vector<16xi32>
        tpu.vector_store %arg8[%swap3A_353], %swap3A_356 {strides = array<i32>} : memref<80xi32, #tpu.memory_space<vmem>>, vector<16xi32>,
        %and3A_357 = arith.constant 65535 : i32
        %and3A_358 = vector.broadcast %and3A_357 : i32 to vector<16xi32>
        %and3A_359 = arith.andi %get3A_349, %and3A_358 : vector<16xi32>
        %swap3A_360 = arith.constant 16 : index
        %swap3A_361 = tpu.vector_load %arg11[%swap3A_360] {strides = array<i32>} : memref<80xi32, #tpu.memory_space<vmem>>, vector<16xi32>,
        %swap3A_362 = vector.shape_cast %swap3A_361 : vector<16xi32> to vector<16xi32>
        %swap3A_363 = vector.shape_cast %and3A_359 : vector<16xi32> to vector<16xi32>
        tpu.vector_store %arg11[%swap3A_360], %swap3A_363 {strides = array<i32>} : memref<80xi32, #tpu.memory_space<vmem>>, vector<16xi32>,
        %mul3A_364 = arith.constant 80 : i32
        %mul3A_365 = arith.muli %add3A_304, %mul3A_364 : i32
        %add3A_366 = arith.constant 32 : i32
        %add3A_367 = arith.addi %mul3A_365, %add3A_366 : i32
        %get3A_368 = arith.index_cast %add3A_367 : i32 to index
        %get3A_369 = tpu.vector_load %arg6[%get3A_368] {strides = array<i32>} : memref<10000xi32, #tpu.memory_space<vmem>>, vector<16xi32>,
        %get3A_370 = vector.shape_cast %get3A_369 : vector<16xi32> to vector<16xi32>
        %shift_right_logical3A_371 = arith.constant 16 : i32
        %shift_right_logical3A_372 = vector.broadcast %shift_right_logical3A_371 : i32 to vector<16xi32>
        %shift_right_logical3A_373 = arith.shrui %get3A_370, %shift_right_logical3A_372 : vector<16xi32>
        %swap3A_374 = arith.constant 32 : index
        %swap3A_375 = tpu.vector_load %arg8[%swap3A_374] {strides = array<i32>} : memref<80xi32, #tpu.memory_space<vmem>>, vector<16xi32>,
        %swap3A_376 = vector.shape_cast %swap3A_375 : vector<16xi32> to vector<16xi32>
        %swap3A_377 = vector.shape_cast %shift_right_logical3A_373 : vector<16xi32> to vector<16xi32>
        tpu.vector_store %arg8[%swap3A_374], %swap3A_377 {strides = array<i32>} : memref<80xi32, #tpu.memory_space<vmem>>, vector<16xi32>,
        %and3A_378 = arith.constant 65535 : i32
        %and3A_379 = vector.broadcast %and3A_378 : i32 to vector<16xi32>
        %and3A_380 = arith.andi %get3A_370, %and3A_379 : vector<16xi32>
        %swap3A_381 = arith.constant 32 : index
        %swap3A_382 = tpu.vector_load %arg11[%swap3A_381] {strides = array<i32>} : memref<80xi32, #tpu.memory_space<vmem>>, vector<16xi32>,
        %swap3A_383 = vector.shape_cast %swap3A_382 : vector<16xi32> to vector<16xi32>
        %swap3A_384 = vector.shape_cast %and3A_380 : vector<16xi32> to vector<16xi32>
        tpu.vector_store %arg11[%swap3A_381], %swap3A_384 {strides = array<i32>} : memref<80xi32, #tpu.memory_space<vmem>>, vector<16xi32>,
        %mul3A_385 = arith.constant 80 : i32
        %mul3A_386 = arith.muli %add3A_304, %mul3A_385 : i32
        %add3A_387 = arith.constant 48 : i32
        %add3A_388 = arith.addi %mul3A_386, %add3A_387 : i32
        %get3A_389 = arith.index_cast %add3A_388 : i32 to index
        %get3A_390 = tpu.vector_load %arg6[%get3A_389] {strides = array<i32>} : memref<10000xi32, #tpu.memory_space<vmem>>, vector<16xi32>,
        %get3A_391 = vector.shape_cast %get3A_390 : vector<16xi32> to vector<16xi32>
        %shift_right_logical3A_392 = arith.constant 16 : i32
        %shift_right_logical3A_393 = vector.broadcast %shift_right_logical3A_392 : i32 to vector<16xi32>
        %shift_right_logical3A_394 = arith.shrui %get3A_391, %shift_right_logical3A_393 : vector<16xi32>
        %swap3A_395 = arith.constant 48 : index
        %swap3A_396 = tpu.vector_load %arg8[%swap3A_395] {strides = array<i32>} : memref<80xi32, #tpu.memory_space<vmem>>, vector<16xi32>,
        %swap3A_397 = vector.shape_cast %swap3A_396 : vector<16xi32> to vector<16xi32>
        %swap3A_398 = vector.shape_cast %shift_right_logical3A_394 : vector<16xi32> to vector<16xi32>
        tpu.vector_store %arg8[%swap3A_395], %swap3A_398 {strides = array<i32>} : memref<80xi32, #tpu.memory_space<vmem>>, vector<16xi32>,
        %and3A_399 = arith.constant 65535 : i32
        %and3A_400 = vector.broadcast %and3A_399 : i32 to vector<16xi32>
        %and3A_401 = arith.andi %get3A_391, %and3A_400 : vector<16xi32>
        %swap3A_402 = arith.constant 48 : index
        %swap3A_403 = tpu.vector_load %arg11[%swap3A_402] {strides = array<i32>} : memref<80xi32, #tpu.memory_space<vmem>>, vector<16xi32>,
        %swap3A_404 = vector.shape_cast %swap3A_403 : vector<16xi32> to vector<16xi32>
        %swap3A_405 = vector.shape_cast %and3A_401 : vector<16xi32> to vector<16xi32>
        tpu.vector_store %arg11[%swap3A_402], %swap3A_405 {strides = array<i32>} : memref<80xi32, #tpu.memory_space<vmem>>, vector<16xi32>,
        %mul3A_406 = arith.constant 80 : i32
        %mul3A_407 = arith.muli %add3A_304, %mul3A_406 : i32
        %add3A_408 = arith.constant 64 : i32
        %add3A_409 = arith.addi %mul3A_407, %add3A_408 : i32
        %get3A_410 = arith.index_cast %add3A_409 : i32 to index
        %get3A_411 = tpu.vector_load %arg6[%get3A_410] {strides = array<i32>} : memref<10000xi32, #tpu.memory_space<vmem>>, vector<16xi32>,
        %get3A_412 = vector.shape_cast %get3A_411 : vector<16xi32> to vector<16xi32>
        %shift_right_logical3A_413 = arith.constant 16 : i32
        %shift_right_logical3A_414 = vector.broadcast %shift_right_logical3A_413 : i32 to vector<16xi32>
        %shift_right_logical3A_415 = arith.shrui %get3A_412, %shift_right_logical3A_414 : vector<16xi32>
        %swap3A_416 = arith.constant 64 : index
        %swap3A_417 = tpu.vector_load %arg8[%swap3A_416] {strides = array<i32>} : memref<80xi32, #tpu.memory_space<vmem>>, vector<16xi32>,
        %swap3A_418 = vector.shape_cast %swap3A_417 : vector<16xi32> to vector<16xi32>
        %swap3A_419 = vector.shape_cast %shift_right_logical3A_415 : vector<16xi32> to vector<16xi32>
        tpu.vector_store %arg8[%swap3A_416], %swap3A_419 {strides = array<i32>} : memref<80xi32, #tpu.memory_space<vmem>>, vector<16xi32>,
        %and3A_420 = arith.constant 65535 : i32
        %and3A_421 = vector.broadcast %and3A_420 : i32 to vector<16xi32>
        %and3A_422 = arith.andi %get3A_412, %and3A_421 : vector<16xi32>
        %swap3A_423 = arith.constant 64 : index
        %swap3A_424 = tpu.vector_load %arg11[%swap3A_423] {strides = array<i32>} : memref<80xi32, #tpu.memory_space<vmem>>, vector<16xi32>,
        %swap3A_425 = vector.shape_cast %swap3A_424 : vector<16xi32> to vector<16xi32>
        %swap3A_426 = vector.shape_cast %and3A_422 : vector<16xi32> to vector<16xi32>
        tpu.vector_store %arg11[%swap3A_423], %swap3A_426 {strides = array<i32>} : memref<80xi32, #tpu.memory_space<vmem>>, vector<16xi32>,
        %dma_start3A_427 = arith.constant 0 : i32
        %dma_start3A_428 = arith.constant 0 : i32
        %dma_start3A_429 = tpu.memref_slice %arg3[%dma_start3A_427, %dma_start3A_428] : memref<10000x128xf32, #tpu.memory_space<hbm>> -> memref<10000x128xf32, #tpu.memory_space<hbm>>
        tpu.enqueue_indirect_dma source(%dma_start3A_429 : memref<10000x128xf32, #tpu.memory_space<hbm>>) target(%arg14 : memref<80x128xf32, #tpu.memory_space<vmem>>) offsets(%arg8 : memref<80xi32, #tpu.memory_space<vmem>>) semaphore(%arg17 : memref<!tpu.dma_semaphore, #tpu.memory_space<semaphore_mem>>)
      } else {
      }
      %dma_wait3A_310 = arith.constant 0 : i32
      %dma_wait3A_311 = arith.constant 0 : i32
      %dma_wait3A_312 = tpu.memref_slice %arg3[%dma_wait3A_310, %dma_wait3A_311] : memref<10000x128xf32, #tpu.memory_space<hbm>> -> memref<10000x128xf32, #tpu.memory_space<hbm>>
      tpu.wait_indirect_dma semaphore(%arg18 : memref<!tpu.dma_semaphore, #tpu.memory_space<semaphore_mem>>) src(%dma_wait3A_312 : memref<10000x128xf32, #tpu.memory_space<hbm>>) dst(%arg15 : memref<80x128xf32, #tpu.memory_space<vmem>>)
      "tpu.region"() ({
        %run_scoped3A = tpu.sem_alloc : memref<!tpu.dma_semaphore, #tpu.memory_space<semaphore_mem>>
        %dma_start3A_322 = arith.constant 0 : i32
        %dma_start3A_323 = arith.constant 0 : i32
        %dma_start3A_324 = tpu.memref_slice %arg20[%dma_start3A_322, %dma_start3A_323] : memref<10112x128xf32, #tpu.memory_space<vmem_shared>> -> memref<10112x128xf32, #tpu.memory_space<vmem_shared>>
        tpu.enqueue_indirect_dma source(%arg15 : memref<80x128xf32, #tpu.memory_space<vmem>>) target(%dma_start3A_324 : memref<10112x128xf32, #tpu.memory_space<vmem_shared>>) offsets(%arg12 : memref<80xi32, #tpu.memory_space<vmem>>) semaphore(%run_scoped3A : memref<!tpu.dma_semaphore, #tpu.memory_space<semaphore_mem>>) {add = true}
        %dma_wait3A_325 = arith.constant 0 : i32
        %dma_wait3A_326 = arith.constant 0 : i32
        %dma_wait3A_327 = tpu.memref_slice %arg20[%dma_wait3A_325, %dma_wait3A_326] : memref<10112x128xf32, #tpu.memory_space<vmem_shared>> -> memref<10112x128xf32, #tpu.memory_space<vmem_shared>>
        tpu.wait_indirect_dma semaphore(%run_scoped3A : memref<!tpu.dma_semaphore, #tpu.memory_space<semaphore_mem>>) src(%arg15 : memref<80x128xf32, #tpu.memory_space<vmem>>) dst(%dma_wait3A_327 : memref<10112x128xf32, #tpu.memory_space<vmem_shared>>)
        tpu.yield
      }) : () -> ()
      %add3A_313 = arith.constant 2 : i32
      %add3A_314 = arith.addi %add3A_288, %add3A_313 : i32
      %add3A_315 = arith.constant 3 : i32
      %add3A_316 = arith.addi %add3A_314, %add3A_315 : i32
      %lt3A_317 = arith.constant 125 : i32
      %lt3A_318 = arith.cmpi slt, %add3A_316, %lt3A_317 : i32
      %convert_element_type3A_319 = arith.extui %lt3A_318 : i1 to i32
      %cond3A_320 = arith.constant 0 : i32
      %cond3A_321 = arith.cmpi ne, %convert_element_type3A_319, %cond3A_320 : i32
      scf.if %cond3A_321 {
        %mul3A_322 = arith.constant 80 : i32
        %mul3A_323 = arith.muli %add3A_316, %mul3A_322 : i32
        %add3A_324 = arith.constant 0 : i32
        %add3A_325 = arith.addi %mul3A_323, %add3A_324 : i32
        %get3A_326 = arith.index_cast %add3A_325 : i32 to index
        %get3A_327 = tpu.vector_load %arg6[%get3A_326] {strides = array<i32>} : memref<10000xi32, #tpu.memory_space<vmem>>, vector<16xi32>,
        %get3A_328 = vector.shape_cast %get3A_327 : vector<16xi32> to vector<16xi32>
        %shift_right_logical3A_329 = arith.constant 16 : i32
        %shift_right_logical3A_330 = vector.broadcast %shift_right_logical3A_329 : i32 to vector<16xi32>
        %shift_right_logical3A_331 = arith.shrui %get3A_328, %shift_right_logical3A_330 : vector<16xi32>
        %swap3A_332 = arith.constant 0 : index
        %swap3A_333 = tpu.vector_load %arg9[%swap3A_332] {strides = array<i32>} : memref<80xi32, #tpu.memory_space<vmem>>, vector<16xi32>,
        %swap3A_334 = vector.shape_cast %swap3A_333 : vector<16xi32> to vector<16xi32>
        %swap3A_335 = vector.shape_cast %shift_right_logical3A_331 : vector<16xi32> to vector<16xi32>
        tpu.vector_store %arg9[%swap3A_332], %swap3A_335 {strides = array<i32>} : memref<80xi32, #tpu.memory_space<vmem>>, vector<16xi32>,
        %and3A_336 = arith.constant 65535 : i32
        %and3A_337 = vector.broadcast %and3A_336 : i32 to vector<16xi32>
        %and3A_338 = arith.andi %get3A_328, %and3A_337 : vector<16xi32>
        %swap3A_339 = arith.constant 0 : index
        %swap3A_340 = tpu.vector_load %arg12[%swap3A_339] {strides = array<i32>} : memref<80xi32, #tpu.memory_space<vmem>>, vector<16xi32>,
        %swap3A_341 = vector.shape_cast %swap3A_340 : vector<16xi32> to vector<16xi32>
        %swap3A_342 = vector.shape_cast %and3A_338 : vector<16xi32> to vector<16xi32>
        tpu.vector_store %arg12[%swap3A_339], %swap3A_342 {strides = array<i32>} : memref<80xi32, #tpu.memory_space<vmem>>, vector<16xi32>,
        %mul3A_343 = arith.constant 80 : i32
        %mul3A_344 = arith.muli %add3A_316, %mul3A_343 : i32
        %add3A_345 = arith.constant 16 : i32
        %add3A_346 = arith.addi %mul3A_344, %add3A_345 : i32
        %get3A_347 = arith.index_cast %add3A_346 : i32 to index
        %get3A_348 = tpu.vector_load %arg6[%get3A_347] {strides = array<i32>} : memref<10000xi32, #tpu.memory_space<vmem>>, vector<16xi32>,
        %get3A_349 = vector.shape_cast %get3A_348 : vector<16xi32> to vector<16xi32>
        %shift_right_logical3A_350 = arith.constant 16 : i32
        %shift_right_logical3A_351 = vector.broadcast %shift_right_logical3A_350 : i32 to vector<16xi32>
        %shift_right_logical3A_352 = arith.shrui %get3A_349, %shift_right_logical3A_351 : vector<16xi32>
        %swap3A_353 = arith.constant 16 : index
        %swap3A_354 = tpu.vector_load %arg9[%swap3A_353] {strides = array<i32>} : memref<80xi32, #tpu.memory_space<vmem>>, vector<16xi32>,
        %swap3A_355 = vector.shape_cast %swap3A_354 : vector<16xi32> to vector<16xi32>
        %swap3A_356 = vector.shape_cast %shift_right_logical3A_352 : vector<16xi32> to vector<16xi32>
        tpu.vector_store %arg9[%swap3A_353], %swap3A_356 {strides = array<i32>} : memref<80xi32, #tpu.memory_space<vmem>>, vector<16xi32>,
        %and3A_357 = arith.constant 65535 : i32
        %and3A_358 = vector.broadcast %and3A_357 : i32 to vector<16xi32>
        %and3A_359 = arith.andi %get3A_349, %and3A_358 : vector<16xi32>
        %swap3A_360 = arith.constant 16 : index
        %swap3A_361 = tpu.vector_load %arg12[%swap3A_360] {strides = array<i32>} : memref<80xi32, #tpu.memory_space<vmem>>, vector<16xi32>,
        %swap3A_362 = vector.shape_cast %swap3A_361 : vector<16xi32> to vector<16xi32>
        %swap3A_363 = vector.shape_cast %and3A_359 : vector<16xi32> to vector<16xi32>
        tpu.vector_store %arg12[%swap3A_360], %swap3A_363 {strides = array<i32>} : memref<80xi32, #tpu.memory_space<vmem>>, vector<16xi32>,
        %mul3A_364 = arith.constant 80 : i32
        %mul3A_365 = arith.muli %add3A_316, %mul3A_364 : i32
        %add3A_366 = arith.constant 32 : i32
        %add3A_367 = arith.addi %mul3A_365, %add3A_366 : i32
        %get3A_368 = arith.index_cast %add3A_367 : i32 to index
        %get3A_369 = tpu.vector_load %arg6[%get3A_368] {strides = array<i32>} : memref<10000xi32, #tpu.memory_space<vmem>>, vector<16xi32>,
        %get3A_370 = vector.shape_cast %get3A_369 : vector<16xi32> to vector<16xi32>
        %shift_right_logical3A_371 = arith.constant 16 : i32
        %shift_right_logical3A_372 = vector.broadcast %shift_right_logical3A_371 : i32 to vector<16xi32>
        %shift_right_logical3A_373 = arith.shrui %get3A_370, %shift_right_logical3A_372 : vector<16xi32>
        %swap3A_374 = arith.constant 32 : index
        %swap3A_375 = tpu.vector_load %arg9[%swap3A_374] {strides = array<i32>} : memref<80xi32, #tpu.memory_space<vmem>>, vector<16xi32>,
        %swap3A_376 = vector.shape_cast %swap3A_375 : vector<16xi32> to vector<16xi32>
        %swap3A_377 = vector.shape_cast %shift_right_logical3A_373 : vector<16xi32> to vector<16xi32>
        tpu.vector_store %arg9[%swap3A_374], %swap3A_377 {strides = array<i32>} : memref<80xi32, #tpu.memory_space<vmem>>, vector<16xi32>,
        %and3A_378 = arith.constant 65535 : i32
        %and3A_379 = vector.broadcast %and3A_378 : i32 to vector<16xi32>
        %and3A_380 = arith.andi %get3A_370, %and3A_379 : vector<16xi32>
        %swap3A_381 = arith.constant 32 : index
        %swap3A_382 = tpu.vector_load %arg12[%swap3A_381] {strides = array<i32>} : memref<80xi32, #tpu.memory_space<vmem>>, vector<16xi32>,
        %swap3A_383 = vector.shape_cast %swap3A_382 : vector<16xi32> to vector<16xi32>
        %swap3A_384 = vector.shape_cast %and3A_380 : vector<16xi32> to vector<16xi32>
        tpu.vector_store %arg12[%swap3A_381], %swap3A_384 {strides = array<i32>} : memref<80xi32, #tpu.memory_space<vmem>>, vector<16xi32>,
        %mul3A_385 = arith.constant 80 : i32
        %mul3A_386 = arith.muli %add3A_316, %mul3A_385 : i32
        %add3A_387 = arith.constant 48 : i32
        %add3A_388 = arith.addi %mul3A_386, %add3A_387 : i32
        %get3A_389 = arith.index_cast %add3A_388 : i32 to index
        %get3A_390 = tpu.vector_load %arg6[%get3A_389] {strides = array<i32>} : memref<10000xi32, #tpu.memory_space<vmem>>, vector<16xi32>,
        %get3A_391 = vector.shape_cast %get3A_390 : vector<16xi32> to vector<16xi32>
        %shift_right_logical3A_392 = arith.constant 16 : i32
        %shift_right_logical3A_393 = vector.broadcast %shift_right_logical3A_392 : i32 to vector<16xi32>
        %shift_right_logical3A_394 = arith.shrui %get3A_391, %shift_right_logical3A_393 : vector<16xi32>
        %swap3A_395 = arith.constant 48 : index
        %swap3A_396 = tpu.vector_load %arg9[%swap3A_395] {strides = array<i32>} : memref<80xi32, #tpu.memory_space<vmem>>, vector<16xi32>,
        %swap3A_397 = vector.shape_cast %swap3A_396 : vector<16xi32> to vector<16xi32>
        %swap3A_398 = vector.shape_cast %shift_right_logical3A_394 : vector<16xi32> to vector<16xi32>
        tpu.vector_store %arg9[%swap3A_395], %swap3A_398 {strides = array<i32>} : memref<80xi32, #tpu.memory_space<vmem>>, vector<16xi32>,
        %and3A_399 = arith.constant 65535 : i32
        %and3A_400 = vector.broadcast %and3A_399 : i32 to vector<16xi32>
        %and3A_401 = arith.andi %get3A_391, %and3A_400 : vector<16xi32>
        %swap3A_402 = arith.constant 48 : index
        %swap3A_403 = tpu.vector_load %arg12[%swap3A_402] {strides = array<i32>} : memref<80xi32, #tpu.memory_space<vmem>>, vector<16xi32>,
        %swap3A_404 = vector.shape_cast %swap3A_403 : vector<16xi32> to vector<16xi32>
        %swap3A_405 = vector.shape_cast %and3A_401 : vector<16xi32> to vector<16xi32>
        tpu.vector_store %arg12[%swap3A_402], %swap3A_405 {strides = array<i32>} : memref<80xi32, #tpu.memory_space<vmem>>, vector<16xi32>,
        %mul3A_406 = arith.constant 80 : i32
        %mul3A_407 = arith.muli %add3A_316, %mul3A_406 : i32
        %add3A_408 = arith.constant 64 : i32
        %add3A_409 = arith.addi %mul3A_407, %add3A_408 : i32
        %get3A_410 = arith.index_cast %add3A_409 : i32 to index
        %get3A_411 = tpu.vector_load %arg6[%get3A_410] {strides = array<i32>} : memref<10000xi32, #tpu.memory_space<vmem>>, vector<16xi32>,
        %get3A_412 = vector.shape_cast %get3A_411 : vector<16xi32> to vector<16xi32>
        %shift_right_logical3A_413 = arith.constant 16 : i32
        %shift_right_logical3A_414 = vector.broadcast %shift_right_logical3A_413 : i32 to vector<16xi32>
        %shift_right_logical3A_415 = arith.shrui %get3A_412, %shift_right_logical3A_414 : vector<16xi32>
        %swap3A_416 = arith.constant 64 : index
        %swap3A_417 = tpu.vector_load %arg9[%swap3A_416] {strides = array<i32>} : memref<80xi32, #tpu.memory_space<vmem>>, vector<16xi32>,
        %swap3A_418 = vector.shape_cast %swap3A_417 : vector<16xi32> to vector<16xi32>
        %swap3A_419 = vector.shape_cast %shift_right_logical3A_415 : vector<16xi32> to vector<16xi32>
        tpu.vector_store %arg9[%swap3A_416], %swap3A_419 {strides = array<i32>} : memref<80xi32, #tpu.memory_space<vmem>>, vector<16xi32>,
        %and3A_420 = arith.constant 65535 : i32
        %and3A_421 = vector.broadcast %and3A_420 : i32 to vector<16xi32>
        %and3A_422 = arith.andi %get3A_412, %and3A_421 : vector<16xi32>
        %swap3A_423 = arith.constant 64 : index
        %swap3A_424 = tpu.vector_load %arg12[%swap3A_423] {strides = array<i32>} : memref<80xi32, #tpu.memory_space<vmem>>, vector<16xi32>,
        %swap3A_425 = vector.shape_cast %swap3A_424 : vector<16xi32> to vector<16xi32>
        %swap3A_426 = vector.shape_cast %and3A_422 : vector<16xi32> to vector<16xi32>
        tpu.vector_store %arg12[%swap3A_423], %swap3A_426 {strides = array<i32>} : memref<80xi32, #tpu.memory_space<vmem>>, vector<16xi32>,
        %dma_start3A_427 = arith.constant 0 : i32
        %dma_start3A_428 = arith.constant 0 : i32
        %dma_start3A_429 = tpu.memref_slice %arg3[%dma_start3A_427, %dma_start3A_428] : memref<10000x128xf32, #tpu.memory_space<hbm>> -> memref<10000x128xf32, #tpu.memory_space<hbm>>
        tpu.enqueue_indirect_dma source(%dma_start3A_429 : memref<10000x128xf32, #tpu.memory_space<hbm>>) target(%arg15 : memref<80x128xf32, #tpu.memory_space<vmem>>) offsets(%arg9 : memref<80xi32, #tpu.memory_space<vmem>>) semaphore(%arg18 : memref<!tpu.dma_semaphore, #tpu.memory_space<semaphore_mem>>)
      } else {
      }
    }
    %scan3A_273 = arith.constant 41 : i32
    %dma_wait3A = arith.constant 0 : i32
    %dma_wait3A_274 = arith.constant 0 : i32
    %dma_wait3A_275 = tpu.memref_slice %arg3[%dma_wait3A, %dma_wait3A_274] : memref<10000x128xf32, #tpu.memory_space<hbm>> -> memref<10000x128xf32, #tpu.memory_space<hbm>>
    tpu.wait_indirect_dma semaphore(%arg16 : memref<!tpu.dma_semaphore, #tpu.memory_space<semaphore_mem>>) src(%dma_wait3A_275 : memref<10000x128xf32, #tpu.memory_space<hbm>>) dst(%arg13 : memref<80x128xf32, #tpu.memory_space<vmem>>)
    "tpu.region"() ({
      %run_scoped3A = tpu.sem_alloc : memref<!tpu.dma_semaphore, #tpu.memory_space<semaphore_mem>>
      %dma_start3A_284 = arith.constant 0 : i32
      %dma_start3A_285 = arith.constant 0 : i32
      %dma_start3A_286 = tpu.memref_slice %arg20[%dma_start3A_284, %dma_start3A_285] : memref<10112x128xf32, #tpu.memory_space<vmem_shared>> -> memref<10112x128xf32, #tpu.memory_space<vmem_shared>>
      tpu.enqueue_indirect_dma source(%arg13 : memref<80x128xf32, #tpu.memory_space<vmem>>) target(%dma_start3A_286 : memref<10112x128xf32, #tpu.memory_space<vmem_shared>>) offsets(%arg10 : memref<80xi32, #tpu.memory_space<vmem>>) semaphore(%run_scoped3A : memref<!tpu.dma_semaphore, #tpu.memory_space<semaphore_mem>>) {add = true}
      %dma_wait3A_287 = arith.constant 0 : i32
      %dma_wait3A_288 = arith.constant 0 : i32
      %dma_wait3A_289 = tpu.memref_slice %arg20[%dma_wait3A_287, %dma_wait3A_288] : memref<10112x128xf32, #tpu.memory_space<vmem_shared>> -> memref<10112x128xf32, #tpu.memory_space<vmem_shared>>
      tpu.wait_indirect_dma semaphore(%run_scoped3A : memref<!tpu.dma_semaphore, #tpu.memory_space<semaphore_mem>>) src(%arg13 : memref<80x128xf32, #tpu.memory_space<vmem>>) dst(%dma_wait3A_289 : memref<10112x128xf32, #tpu.memory_space<vmem_shared>>)
      tpu.yield
    }) : () -> ()
    %dma_wait3A_276 = arith.constant 0 : i32
    %dma_wait3A_277 = arith.constant 0 : i32
    %dma_wait3A_278 = tpu.memref_slice %arg3[%dma_wait3A_276, %dma_wait3A_277] : memref<10000x128xf32, #tpu.memory_space<hbm>> -> memref<10000x128xf32, #tpu.memory_space<hbm>>
    tpu.wait_indirect_dma semaphore(%arg17 : memref<!tpu.dma_semaphore, #tpu.memory_space<semaphore_mem>>) src(%dma_wait3A_278 : memref<10000x128xf32, #tpu.memory_space<hbm>>) dst(%arg14 : memref<80x128xf32, #tpu.memory_space<vmem>>)
    "tpu.region"() ({
      %run_scoped3A = tpu.sem_alloc : memref<!tpu.dma_semaphore, #tpu.memory_space<semaphore_mem>>
      %dma_start3A_284 = arith.constant 0 : i32
      %dma_start3A_285 = arith.constant 0 : i32
      %dma_start3A_286 = tpu.memref_slice %arg20[%dma_start3A_284, %dma_start3A_285] : memref<10112x128xf32, #tpu.memory_space<vmem_shared>> -> memref<10112x128xf32, #tpu.memory_space<vmem_shared>>
      tpu.enqueue_indirect_dma source(%arg14 : memref<80x128xf32, #tpu.memory_space<vmem>>) target(%dma_start3A_286 : memref<10112x128xf32, #tpu.memory_space<vmem_shared>>) offsets(%arg11 : memref<80xi32, #tpu.memory_space<vmem>>) semaphore(%run_scoped3A : memref<!tpu.dma_semaphore, #tpu.memory_space<semaphore_mem>>) {add = true}
      %dma_wait3A_287 = arith.constant 0 : i32
      %dma_wait3A_288 = arith.constant 0 : i32
      %dma_wait3A_289 = tpu.memref_slice %arg20[%dma_wait3A_287, %dma_wait3A_288] : memref<10112x128xf32, #tpu.memory_space<vmem_shared>> -> memref<10112x128xf32, #tpu.memory_space<vmem_shared>>
      tpu.wait_indirect_dma semaphore(%run_scoped3A : memref<!tpu.dma_semaphore, #tpu.memory_space<semaphore_mem>>) src(%arg14 : memref<80x128xf32, #tpu.memory_space<vmem>>) dst(%dma_wait3A_289 : memref<10112x128xf32, #tpu.memory_space<vmem_shared>>)
      tpu.yield
    }) : () -> ()
    %barrier3A_279 = arith.constant 0 : index
    tpu.barrier barrier_id(%barrier3A_279)
    %mul3A_280 = arith.constant 632 : i32
    %mul3A_281 = arith.muli %arg1, %mul3A_280 : i32
    %mul3A_282 = arith.constant 632 : i32
    %mul3A_283 = arith.muli %arg1, %mul3A_282 : i32
    "tpu.region"() ({
      %run_scoped3A = tpu.sem_alloc : memref<!tpu.dma_semaphore, #tpu.memory_space<semaphore_mem>>
      %dma_start3A_284 = arith.constant 0 : i32
      %dma_start3A_285 = tpu.memref_slice %arg5[%arg0, %mul3A_283, %dma_start3A_284] : memref<2x10112x128xf32, #tpu.memory_space<hbm>> -> memref<1x632x128xf32, #tpu.memory_space<hbm>>
      %dma_start3A_286 = tpu.memref_squeeze %dma_start3A_285 : memref<1x632x128xf32, #tpu.memory_space<hbm>> -> memref<632x128xf32, #tpu.memory_space<hbm>>
      %dma_start3A_287 = arith.constant 0 : i32
      %dma_start3A_288 = tpu.memref_slice %arg20[%mul3A_281, %dma_start3A_287] : memref<10112x128xf32, #tpu.memory_space<vmem_shared>> -> memref<632x128xf32, #tpu.memory_space<vmem_shared>>
      tpu.enqueue_dma source(%dma_start3A_288 : memref<632x128xf32, #tpu.memory_space<vmem_shared>>) target(%dma_start3A_286 : memref<632x128xf32, #tpu.memory_space<hbm>>) target_semaphore(%run_scoped3A : memref<!tpu.dma_semaphore, #tpu.memory_space<semaphore_mem>>)
      %dma_wait3A_289 = arith.constant 0 : i32
      %dma_wait3A_290 = tpu.memref_slice %arg5[%arg0, %mul3A_283, %dma_wait3A_289] : memref<2x10112x128xf32, #tpu.memory_space<hbm>> -> memref<1x632x128xf32, #tpu.memory_space<hbm>>
      %dma_wait3A_291 = tpu.memref_squeeze %dma_wait3A_290 : memref<1x632x128xf32, #tpu.memory_space<hbm>> -> memref<632x128xf32, #tpu.memory_space<hbm>>
      %dma_wait3A_292 = arith.constant 0 : i32
      %dma_wait3A_293 = tpu.memref_slice %arg20[%mul3A_281, %dma_wait3A_292] : memref<10112x128xf32, #tpu.memory_space<vmem_shared>> -> memref<632x128xf32, #tpu.memory_space<vmem_shared>>
      tpu.wait_dma2 semaphore(%run_scoped3A : memref<!tpu.dma_semaphore, #tpu.memory_space<semaphore_mem>>) src(%dma_wait3A_293 : memref<632x128xf32, #tpu.memory_space<vmem_shared>>) dst(%dma_wait3A_291 : memref<632x128xf32, #tpu.memory_space<hbm>>)
      tpu.yield
    }) : () -> ()
    return
  }
}

module attributes {stable_mosaic.version = 14 : i64} {
  func.func @_mix_body(%arg0: i32, %arg1: memref<1x1xf32, #tpu.memory_space<vmem>>, %arg2: memref<2x1000x128xf32, #tpu.memory_space<vmem>>, %arg3: memref<1000x128xf32, #tpu.memory_space<vmem>>, %arg4: memref<1000x128xf32, #tpu.memory_space<vmem>>, %arg5: memref<1000x128xf32, #tpu.memory_space<vmem>>, %arg6: memref<1000x128xf32, #tpu.memory_space<vmem>>, %arg7: memref<1000x128xf32, #tpu.memory_space<vmem>>, %arg8: memref<1000x128xf32, #tpu.memory_space<vmem>>, %arg9: memref<1000x128xf32, #tpu.memory_space<vmem>>, %arg10: memref<1000x128xf32, #tpu.memory_space<vmem>>) attributes {dimension_semantics = [#tpu.dimension_semantics<arbitrary>], iteration_bounds = array<i64: 10>, scalar_prefetch = 0 : i64, scratch_operands = 0 : i64, tpu.core_type = #tpu.core_type<tc>, window_params = [{pipeline_mode = #tpu.pipeline_mode<synchronous>, transform_indices = @transform_0, window_bounds = array<i64: 1, 1>}, {transform_indices = @transform_1, window_bounds = array<i64: 2, 1000, 128>}, {transform_indices = @transform_2, window_bounds = array<i64: 1000, 128>}, {transform_indices = @transform_3, window_bounds = array<i64: 1000, 128>}, {transform_indices = @transform_4, window_bounds = array<i64: 1000, 128>}, {transform_indices = @transform_5, window_bounds = array<i64: 1000, 128>}, {transform_indices = @transform_6, window_bounds = array<i64: 1000, 128>}, {transform_indices = @transform_7, window_bounds = array<i64: 1000, 128>}, {transform_indices = @transform_8, window_bounds = array<i64: 1000, 128>}, {transform_indices = @transform_9, window_bounds = array<i64: 1000, 128>}]} {
    %get3A = arith.constant 0 : index
    %get3A_0 = arith.constant 0 : index
    %get3A_1 = vector.load %arg1[%get3A, %get3A_0] : memref<1x1xf32, #tpu.memory_space<vmem>>, vector<1x1xf32>
    %get3A_2 = vector.extract %get3A_1[0, 0] : f32 from vector<1x1xf32>
    %gt3A = arith.constant 5.000000e-01 : f32
    %gt3A_3 = arith.cmpf ogt, %get3A_2, %gt3A : f32
    %get3A_4 = arith.constant 0 : index
    %get3A_5 = arith.constant 0 : index
    %get3A_6 = arith.constant 0 : index
    %get3A_7 = vector.load %arg2[%get3A_4, %get3A_5, %get3A_6] : memref<2x1000x128xf32, #tpu.memory_space<vmem>>, vector<1x1000x128xf32>
    %get3A_8 = vector.shape_cast %get3A_7 : vector<1x1000x128xf32> to vector<1000x128xf32>
    %get3A_9 = arith.constant 1 : index
    %get3A_10 = arith.constant 0 : index
    %get3A_11 = arith.constant 0 : index
    %get3A_12 = vector.load %arg2[%get3A_9, %get3A_10, %get3A_11] : memref<2x1000x128xf32, #tpu.memory_space<vmem>>, vector<1x1000x128xf32>
    %get3A_13 = vector.shape_cast %get3A_12 : vector<1x1000x128xf32> to vector<1000x128xf32>
    %add3A = arith.addf %get3A_8, %get3A_13 : vector<1000x128xf32>
    %get3A_14 = arith.constant 0 : index
    %get3A_15 = arith.constant 0 : index
    %get3A_16 = vector.load %arg3[%get3A_14, %get3A_15] : memref<1000x128xf32, #tpu.memory_space<vmem>>, vector<1000x128xf32>
    %slice3A = vector.extract_strided_slice %add3A {offsets = [0, 0], sizes = [1000, 1], strides = [1, 1]} : vector<1000x128xf32> to vector<1000x1xf32>
    %max3A = arith.constant 1.000000e+00 : f32
    %max3A_17 = vector.broadcast %max3A : f32 to vector<1000x1xf32>
    %max3A_18 = arith.maximumf %slice3A, %max3A_17 : vector<1000x1xf32>
    %rsqrt3A = math.rsqrt %max3A_18 : vector<1000x1xf32>
    %get3A_19 = arith.constant 0 : index
    %get3A_20 = arith.constant 0 : index
    %get3A_21 = vector.load %arg5[%get3A_19, %get3A_20] : memref<1000x128xf32, #tpu.memory_space<vmem>>, vector<1000x128xf32>
    %mul3A = arith.mulf %add3A, %get3A_21 : vector<1000x128xf32>
    %mul3A_22 = arith.constant 5.000000e-01 : f32
    %mul3A_23 = vector.broadcast %mul3A_22 : f32 to vector<1000x128xf32>
    %mul3A_24 = arith.mulf %mul3A_23, %mul3A : vector<1000x128xf32>
    %get3A_25 = arith.constant 0 : index
    %get3A_26 = arith.constant 0 : index
    %get3A_27 = vector.load %arg4[%get3A_25, %get3A_26] : memref<1000x128xf32, #tpu.memory_space<vmem>>, vector<1000x128xf32>
    %mul3A_28 = arith.constant 5.000000e-01 : f32
    %mul3A_29 = vector.broadcast %mul3A_28 : f32 to vector<1000x128xf32>
    %mul3A_30 = arith.mulf %mul3A_29, %get3A_27 : vector<1000x128xf32>
    %add3A_31 = arith.addf %mul3A_24, %mul3A_30 : vector<1000x128xf32>
    %get3A_32 = arith.constant 0 : index
    %get3A_33 = arith.constant 0 : index
    %get3A_34 = vector.load %arg6[%get3A_32, %get3A_33] : memref<1000x128xf32, #tpu.memory_space<vmem>>, vector<1000x128xf32>
    %mul3A_35 = arith.constant 5.000000e-01 : f32
    %mul3A_36 = vector.broadcast %mul3A_35 : f32 to vector<1000x128xf32>
    %mul3A_37 = arith.mulf %mul3A_36, %get3A_34 : vector<1000x128xf32>
    %add3A_38 = arith.addf %add3A_31, %mul3A_37 : vector<1000x128xf32>
    %select_n3A = arith.select %gt3A_3, %get3A_16, %add3A_38 : vector<1000x128xf32>
    %broadcast_in_dim3A = vector.shape_cast %rsqrt3A : vector<1000x1xf32> to vector<1000x1xf32>
    %broadcast_in_dim3A_39 = vector.broadcast %broadcast_in_dim3A : vector<1000x1xf32> to vector<1000x128xf32>
    %get3A_40 = arith.constant 0 : index
    %get3A_41 = arith.constant 0 : index
    %get3A_42 = vector.load %arg5[%get3A_40, %get3A_41] : memref<1000x128xf32, #tpu.memory_space<vmem>>, vector<1000x128xf32>
    %select_n3A_43 = arith.select %gt3A_3, %broadcast_in_dim3A_39, %get3A_42 : vector<1000x128xf32>
    %div3A = vector.broadcast %max3A_18 : vector<1000x1xf32> to vector<1000x128xf32>
    %div3A_44 = arith.divf %get3A_16, %div3A : vector<1000x128xf32>
    %get3A_45 = arith.constant 0 : index
    %get3A_46 = arith.constant 0 : index
    %get3A_47 = vector.load %arg4[%get3A_45, %get3A_46] : memref<1000x128xf32, #tpu.memory_space<vmem>>, vector<1000x128xf32>
    %select_n3A_48 = arith.select %gt3A_3, %div3A_44, %get3A_47 : vector<1000x128xf32>
    %swap3A = arith.constant 0 : index
    %swap3A_49 = arith.constant 0 : index
    %swap3A_50 = vector.load %arg10[%swap3A, %swap3A_49] : memref<1000x128xf32, #tpu.memory_space<vmem>>, vector<1000x128xf32>
    tpu.vector_store %arg10[%swap3A, %swap3A_49], %select_n3A {strides = array<i32>} : memref<1000x128xf32, #tpu.memory_space<vmem>>, vector<1000x128xf32>,
    %swap3A_51 = arith.constant 0 : index
    %swap3A_52 = arith.constant 0 : index
    %swap3A_53 = vector.load %arg9[%swap3A_51, %swap3A_52] : memref<1000x128xf32, #tpu.memory_space<vmem>>, vector<1000x128xf32>
    tpu.vector_store %arg9[%swap3A_51, %swap3A_52], %select_n3A_43 {strides = array<i32>} : memref<1000x128xf32, #tpu.memory_space<vmem>>, vector<1000x128xf32>,
    %swap3A_54 = arith.constant 0 : index
    %swap3A_55 = arith.constant 0 : index
    %swap3A_56 = vector.load %arg8[%swap3A_54, %swap3A_55] : memref<1000x128xf32, #tpu.memory_space<vmem>>, vector<1000x128xf32>
    tpu.vector_store %arg8[%swap3A_54, %swap3A_55], %select_n3A_48 {strides = array<i32>} : memref<1000x128xf32, #tpu.memory_space<vmem>>, vector<1000x128xf32>,
    %mul3A_57 = arith.mulf %select_n3A, %select_n3A_43 : vector<1000x128xf32>
    %swap3A_58 = arith.constant 0 : index
    %swap3A_59 = arith.constant 0 : index
    %swap3A_60 = vector.load %arg7[%swap3A_58, %swap3A_59] : memref<1000x128xf32, #tpu.memory_space<vmem>>, vector<1000x128xf32>
    tpu.vector_store %arg7[%swap3A_58, %swap3A_59], %mul3A_57 {strides = array<i32>} : memref<1000x128xf32, #tpu.memory_space<vmem>>, vector<1000x128xf32>,
    return
  }
  func.func @transform_0(%arg0: i32) -> (i32, i32) {
    %c0_i32 = arith.constant 0 : i32
    %c0_i32_0 = arith.constant 0 : i32
    %c0_i32_1 = arith.constant 0 : i32
    return %c0_i32, %c0_i32_0 : i32, i32
  }
  func.func @transform_1(%arg0: i32) -> (i32, i32, i32) {
    %c0_i32 = arith.constant 0 : i32
    %c0_i32_0 = arith.constant 0 : i32
    %c0_i32_1 = arith.constant 0 : i32
    return %c0_i32, %arg0, %c0_i32_0 : i32, i32, i32
  }
  func.func @transform_2(%arg0: i32) -> (i32, i32) {
    %c0_i32 = arith.constant 0 : i32
    %c0_i32_0 = arith.constant 0 : i32
    return %arg0, %c0_i32 : i32, i32
  }
  func.func @transform_3(%arg0: i32) -> (i32, i32) {
    %c0_i32 = arith.constant 0 : i32
    %c0_i32_0 = arith.constant 0 : i32
    return %arg0, %c0_i32 : i32, i32
  }
  func.func @transform_4(%arg0: i32) -> (i32, i32) {
    %c0_i32 = arith.constant 0 : i32
    %c0_i32_0 = arith.constant 0 : i32
    return %arg0, %c0_i32 : i32, i32
  }
  func.func @transform_5(%arg0: i32) -> (i32, i32) {
    %c0_i32 = arith.constant 0 : i32
    %c0_i32_0 = arith.constant 0 : i32
    return %arg0, %c0_i32 : i32, i32
  }
  func.func @transform_6(%arg0: i32) -> (i32, i32) {
    %c0_i32 = arith.constant 0 : i32
    %c0_i32_0 = arith.constant 0 : i32
    return %arg0, %c0_i32 : i32, i32
  }
  func.func @transform_7(%arg0: i32) -> (i32, i32) {
    %c0_i32 = arith.constant 0 : i32
    %c0_i32_0 = arith.constant 0 : i32
    return %arg0, %c0_i32 : i32, i32
  }
  func.func @transform_8(%arg0: i32) -> (i32, i32) {
    %c0_i32 = arith.constant 0 : i32
    %c0_i32_0 = arith.constant 0 : i32
    return %arg0, %c0_i32 : i32, i32
  }
  func.func @transform_9(%arg0: i32) -> (i32, i32) {
    %c0_i32 = arith.constant 0 : i32
    %c0_i32_0 = arith.constant 0 : i32
    return %arg0, %c0_i32 : i32, i32
  }
}

</mosaic_0001>

<sc_bundles>
// kernel: closed_call.17.cloned.1.call-start
scs
__scs_entry_jumppad:
0x0: {  	(pc) =	sbr.rel $0x88, $3  }
0x1: {  	(tag) =	ssettag $0x0;
	lr =	simm.s32 $0x1  }
0x2: {  	[smem:$0x3F9F] =	sst lr;
	_ =	strace $0xD0000000  }
0x3: {  	_ = 	snop  }
0x4: {  	_ = 	snop  }
0x5: {  	_ = 	snop  }
0x6: {  	_ = 	snop  }
0x7: {  	_ = 	snop  }
__scs_overlays_trampoline_lowered:
0x8: {  	[smem:$0x3FAE] =	sst s0  }
0x9: {  	[smem:$0x3FAF] =	sst s1  }
0xa: {  	[smem:$0x3FB0] =	sst s2  }
0xb: {  	[smem:$0x3FB1] =	sst s3  }
0xc: {  	[smem:$0x3FB2] =	sst s4  }
0xd: {  	[smem:$0x3FB3] =	sst s5  }
0xe: {  	[smem:$0x3FB4] =	sst s6  }
0xf: {  	[smem:$0x3FB5] =	sst s7  }
0x10: {  	[smem:$0x3FB6] =	sst s8  }
0x11: {  	[smem:$0x3FB7] =	sst s9;
	s0 =	simm.s32 @!p0 $0x0  }
0x12: {  	s1 =	sld [smem:$0x3F9D];
	s0 =	simm.s32 @p0 $0x1  }
0x13: {  	[smem:$0x3FB8] =	sst s0;
	s0 =	simm.s32 @!p1 $0x0  }
0x14: {  	s2 =	sld [smem:$0x3F9C];
	s0 =	simm.s32 @p1 $0x1  }
0x15: {  	[smem:$0x3FB9] =	sst s0;
	s0 =	simm.s32 @!p2 $0x0  }
0x16: {  	s3 =	sld [smem:$0x3FDB];
	s0 =	simm.s32 @p2 $0x1  }
0x17: {  	s4 =	simm.s32 $0x1BF5;
	[smem:$0x3FBB] =	sst s0  }
0x18: {  	s0 =	sld [smem:$0x3F9E];
	_ =	swait.ge [sflag:s4], $0x0  }
0x19: {  	s7 =	sld [smem:$0x3F9F]  }
0x1a: {  	s8 =	sadd.s32 $0xFFFFE003, lr  }
0x1b: {  	s9 =	sadd.s32 $0xFFFFFEF7, lr;
	s5 =	simm.s32 $0xFFFFFFFF;
	p2 =	slt.u32 s8, $0xFFFFF086  }
0x1c: {  	p1 =	slt.u32 s9, $0xF7A;
	s5 =	simm.s32 @!p2 $0x0  }
0x1d: {  	s5 =	simm.s32 @p1 $0x1;
	p0 =	seq.s32 s7, s2  }
0x1e: {  	s7 =	smul.u32 @!p0 $0xF7A, s2;
	p2 =	seq.s32 @!p0 s5, $0x0  }
0x1f: {  	s9 =	smul.u32 $0xF7A, s1;
	s8 =	simm.s32 @!p0 $0x1BF5;
	p2 =	por !p2, p0  }
0x20: {  	[sflag:s8] =	ssyncset.s32 @!p0 $0xFFFFF086;
	s6 =	sadd.s32 @!p0 s3, s7;
	s7 =	simm.s32 @!p0 $0x108  }
0x21: {  	s3 =	sadd.s32 s3, s9;
	s6 =	sadd.s32 @!p0 $0x88, s6;
	s7 =	simm.s32 @p2 $0x1082  }
0x22: {  	[simem:s7], [sflag:s8] =	dma.local @!p0 [hbm:s6], $0xF7A  }
0x23: {  	s9 =	sor.u32 $0xD0000000, s2;
	s6 =	simm.s32 $0x108;
	_ =	swait.ge @!p0 [sflag:s8], $0x0  }
0x24: {  	s3 =	sadd.s32 $0x88, s3;
	s6 =	simm.s32 @!p1 $0x1082;
	[sflag:s4] =	ssyncset.s32 $0xFFFFF086  }
0x25: {  	[simem:s6], [sflag:s4] =	dma.local [hbm:s3], $0xF7A  }
0x26: {  	[smem:$0x3F9F] =	sst s1;
	(tag) =	ssettag s2;
	_ =	strace s9  }
0x27: {  	s1 =	sld [smem:$0x3FAF]  }
0x28: {  	s2 =	sld [smem:$0x3FB0]  }
0x29: {  	s4 =	sld [smem:$0x3FB2]  }
0x2a: {  	p0 =	seq.s32 s5, $0x0;
	s5 =	sld [smem:$0x3FB3]  }
0x2b: {  	s6 =	sld [smem:$0x3FB4]  }
0x2c: {  	s7 =	sld [smem:$0x3FB5]  }
0x2d: {  	s3 =	simm.s32 $0x108;
	s8 =	sld [smem:$0x3FB6]  }
0x2e: {  	s3 =	simm.s32 @!p0 $0x1082;
	s9 =	sld [smem:$0x3FB7]  }
0x2f: {  	lr =	sadd.s32 s0, s3;
	s0 =	sld [smem:$0x3FAE]  }
0x30: {  	s3 =	sld [smem:$0x3FB1]  }
0x31: {  	[smem:$0x3FBA] =	sst s10  }
0x32: {  	s10 =	sld [smem:$0x3FB8];
	_ =	sdelay $0x3  }
0x33: {  	p0 =	seq.s32 s10, $0x1;
	s10 =	sld [smem:$0x3FBA];
	_ =	sdelay $0x3  }
0x34: {  	[smem:$0x3FBA] =	sst s10  }
0x35: {  	s10 =	sld [smem:$0x3FB9];
	_ =	sdelay $0x3  }
0x36: {  	p1 =	seq.s32 s10, $0x1;
	s10 =	sld [smem:$0x3FBA];
	_ =	sdelay $0x3  }
0x37: {  	[smem:$0x3FBA] =	sst s10  }
0x38: {  	s10 =	sld [smem:$0x3FBB]  }
0x39: {  	_ = 	snop;
	(pc) =	sbr.ind lr, $3  }
0x3a: {  	_ = 	snop  }
0x3b: {  	_ = 	snop  }
0x3c: {  	p2 =	seq.s32 s10, $0x1;
	s10 =	sld [smem:$0x3FBA]  }
0x3d: {  	_ =	shalt  }
0x3e: {  	_ =	shalt  }
0x3f: {  	_ =	shalt  }
0x40: {  	_ =	shalt  }
0x41: {  	_ =	shalt  }
0x42: {  	_ =	shalt  }
0x43: {  	_ =	shalt  }
0x44: {  	_ =	shalt  }
0x45: {  	_ =	shalt  }
0x46: {  	_ =	shalt  }
0x47: {  	_ =	shalt  }
0x48: {  	_ =	shalt  }
0x49: {  	_ =	shalt  }
0x4a: {  	_ =	shalt  }
0x4b: {  	_ =	shalt  }
0x4c: {  	_ =	shalt  }
0x4d: {  	_ =	shalt  }
0x4e: {  	_ =	shalt  }
0x4f: {  	_ =	shalt  }
0x50: {  	_ =	shalt  }
0x51: {  	_ =	shalt  }
0x52: {  	_ =	shalt  }
0x53: {  	_ =	shalt  }
0x54: {  	_ =	shalt  }
0x55: {  	_ =	shalt  }
0x56: {  	_ =	shalt  }
0x57: {  	_ =	shalt  }
0x58: {  	_ =	shalt  }
0x59: {  	_ =	shalt  }
0x5a: {  	_ =	shalt  }
0x5b: {  	_ =	shalt  }
0x5c: {  	_ =	shalt  }
0x5d: {  	_ =	shalt  }
0x5e: {  	_ =	shalt  }
0x5f: {  	_ =	shalt  }
0x60: {  	_ =	shalt  }
0x61: {  	_ =	shalt  }
0x62: {  	_ =	shalt  }
0x63: {  	_ =	shalt  }
0x64: {  	_ =	shalt  }
0x65: {  	_ =	shalt  }
0x66: {  	_ =	shalt  }
0x67: {  	_ =	shalt  }
0x68: {  	_ =	shalt  }
0x69: {  	_ =	shalt  }
0x6a: {  	_ =	shalt  }
0x6b: {  	_ =	shalt  }
0x6c: {  	_ =	shalt  }
0x6d: {  	_ =	shalt  }
0x6e: {  	_ =	shalt  }
0x6f: {  	_ =	shalt  }
0x70: {  	_ =	shalt  }
0x71: {  	_ =	shalt  }
0x72: {  	_ =	shalt  }
0x73: {  	_ =	shalt  }
0x74: {  	_ =	shalt  }
0x75: {  	_ =	shalt  }
0x76: {  	_ =	shalt  }
0x77: {  	_ =	shalt  }
0x78: {  	_ =	shalt  }
0x79: {  	_ =	shalt  }
0x7a: {  	_ =	shalt  }
0x7b: {  	_ =	shalt  }
0x7c: {  	_ =	shalt  }
0x7d: {  	_ =	shalt  }
0x7e: {  	_ =	shalt  }
0x7f: {  	_ =	shalt  }
0x80: {  	_ =	shalt  }
0x81: {  	_ =	shalt  }
0x82: {  	_ =	shalt  }
0x83: {  	_ =	shalt  }
0x84: {  	_ =	shalt  }
0x85: {  	_ =	shalt  }
0x86: {  	_ =	shalt  }
0x87: {  	_ =	shalt  }
.Lfunc_end0:
.L_simem_size_0:
called_computation_lowered:
.L_overlay_start_0:
0x88: {  	s2 =	sld [smem:$0x3FD9]  }
0x89: {  	s3 =	sld [smem:$0x3FFE];
	_ =	sdelay $0x1  }
0x8a: {  	s1 =	srdreg.scid  }
0x8b: {  	s0 =	sand.u32 $0x1, s1  }
0x8c: {  	s16 =	sshll.u32 s0, $0xA;
	s2 =	sadd.s32 s3, s2  }
0x8d: {  	s2 =	sadd.s32 s2, s16  }
0x8e: {  	[smem:$0x3FC6] =	sst s2  }
0x8f: {  	_ = 	snop  }
0x90: {  	(tm) =	ssettm $0x1  }
0x91: {  	s17 =	sld [smem:$0x3FFB];
	_ =	sdelay $0x3  }
0x92: {  	_ =	strace s17  }
0x93: {  	s2 =	sld [smem:$0x3FFC];
	_ =	sdelay $0x3  }
0x94: {  	_ =	strace s2  }
0x95: {  	s2 =	sld [smem:$0x3FFD];
	_ =	sdelay $0x3  }
0x96: {  	_ =	strace s2  }
0x97: {  	_ =	strace $0x8FFFFFFF  }
0x98: {  	s18 =	sld [smem:$0x3FDB];
	_ =	sdelay $0x1  }
0x99: {  	s19 =	simm.s32 $_scs_section_size  }
0x9a: {  	s4 =	simm.s32 $_size__tile_overlayer_lowered;
	s5 =	simm.s32 $_tile_overlayer_lowered  }
0x9b: {  	s22 =	simm.s32 $0x1BFF;
	s21 =	sshll.u32 s5, $0x1;
	s2 =	sadd.s32 s19, s18  }
0x9c: {  	s6 =	simm.s32 $0x0;
	s20 =	sshll.u32 s4, $0x1;
	s4 =	sadd.s32 s21, s2  }
0x9d: {  	[timem:s6], [sflag:s22] =	dma.local [hbm:s4], s20  }
0x9e: {  	_ =	swait.ge [sflag:s22], s20  }
0x9f: {  	s3 =	ssub.s32 $0x0, s20;
	[sflag:s22] =	ssyncset.done $0x0  }
0xa0: {  	[sflag:s22] =	ssyncadd.s32 s3;
	_ =	sdelay $0x1  }
0xa1: {  	s23 =	simm.s32 $0x1B8B  }
0xa2: {  	_ =	swait.ge [sflag:s23], $0x1  }
0xa3: {  	[sflag:s23] =	ssyncset.done $0x0  }
0xa4: {  	s25 =	simm.s32 $0x1B8E;
	s24 =	sld [smem:$0x3FFE];
	[sflag:s23] =	ssyncadd.s32 $0xFFFFFFFF  }
0xa5: {  	s26 =	simm.s32 $execute0_lowered;
	[smem:$0x3FD2] =	sst s25  }
0xa6: {  	s4 =	sshll.u32 s26, $0x1;
	_ =	strace $0x80000046;
	[dreg:$0x1] =	wrdreg $0xFFFFFFFF  }
0xa7: {  	s28 =	simm.s32 $_size_execute0_lowered;
	s2 =	sadd.s32 s2, s4;
	[dreg:$0x0] =	wrdreg $0x0  }
0xa8: {  	s4 =	sshll.u32 s28, $0x1;
	[dreg:$0x2] =	wrdreg s2  }
0xa9: {  	[dreg:$0x3] =	wrdreg s4  }
0xaa: {  	[dreg:$0x4] =	wrdreg $0xC0  }
0xab: {  	_ =	task [dreg:s6], $0x5FFFF  }
0xac: {  	[dreg:$0x1] =	wrdreg $0xFFFFFFFF  }
0xad: {  	[dreg:$0x0] =	wrdreg $0x60  }
0xae: {  	[dreg:$0x2] =	wrdreg s24  }
0xaf: {  	[dreg:$0x3] =	wrdreg $0xA2800  }
0xb0: {  	[dreg:$0x4] =	wrdreg $0x9  }
0xb1: {  	_ =	task.clear_ibuf [dreg:s6], $0x5FFFF;
	_ =	strace $0x90000046  }
0xb2: {  	s29 =	simm.s32 $0x9;
	_ =	strace $0x80000048  }
0xb3: {  	_ =	swait.ge [sflag:s29], $0x1  }
0xb4: {  	[sflag:s29] =	ssyncadd.s32 $0xFFFFFFFF  }
0xb5: {  	_ =	strace $0x90000048  }
0xb6: {  	_ =	sfence  }
0xb7: {  	s30 =	sld [smem:$0x0];
	_ =	sdelay $0x2  }
0xb8: {  	s31 =	sshll.u32 s1, $0xD;
	s1 =	sshrl.u32 s1, $0x2  }
0xb9: {  	s3 =	sand.u32 $0x4000, s31;
	s1 =	sadd.s32 s1, s30  }
0xba: {  	s0 =	sor.u32 s3, s0;
	s1 =	sshll.u32 s1, $0x11  }
0xbb: {  	s0 =	sor.u32 s1, s0  }
0xbc: {  	s0 =	sadd.s32 $0x8F2B, s0  }
0xbd: {  	[sflag:s0] =	ssyncadd.remote.s32 $0x1  }
0xbe: {  	_ =	sfence.sel $0xFFFF  }
0xbf: {  	[dreg:$0x0] =	wrdreg $0xFFFFFFFF;
	(pc) =	sbr.abs _section_cstart, $3  }
0xc0: {  	[dreg:$0x1] =	wrdreg $0xFFFFFFFF  }
0xc1: {  	_ =	task.clear_ibuf [dreg:s6], $0x2FFFF;
	_ =	strace $0x9FFFFFFF  }
0xc2: {  	(tm) =	ssettm $0x7FFFFFFF  }
0xc3: {  	_ =	shalt  }
tec
execute0_lowered:
.L_overlay_start_1:
0x0: {  	(tag) =	ssettag $0x1  }
0x1: {  	s2 =	rddreg [dreg:$0x0]  }
0x2: {  	s1 =	rddreg [dreg:$0x1];
	s3 =	srdreg.scid  }
0x3: {  	s0 =	stileid.u32;
	s12 =	simm.s32 $0x80;
	s13 =	simm.s32 $0x400  }
0x4: {  	s14 =	simm.s32 $0x5;
	s15 =	simm.s32 $0x4;
	s16 =	simm.s32 $0x50  }
0x5: {  	s17 =	simm.s32 $0x2780;
	s18 =	simm.s32 $0x2A80;
	s19 =	simm.s32 $0x2800  }
0x6: {  	s20 =	simm.s32 $0x5280;
	s21 =	simm.s32 $0x2880;
	s22 =	simm.s32 $0x7A80  }
0x7: {  	s23 =	simm.s32 $0x1;
	s28 =	simm.s32 $0x3;
	s29 =	simm.s32 $0x2A00  }
0x8: {  	s30 =	simm.s32 $0x0;
	s6 =	sand.u32 $0x1, s3;
	s26 =	smul.u32 $0x13C00, s0  }
0x9: {  	s24 =	sshrl.u32 s0, $0x2;
	s4 =	sshll.u32 s0, $0x8;
	s8 =	smul.u32 $0x4F000, s0  }
0xa: {  	s3 =	simm.s32 $0x0;
	s5 =	smul.u32 $0x13C00, s24;
	s25 =	sshll.u32 s6, $0x7  }
0xb: {  	s4 =	sand.u32 $0x300, s4;
	s7 =	smul.u32 $0x13C000, s6;
	[smem:$0x7FF] =	sst s3  }
0xc: {  	s31 =	ssub.s32 $0x2, s6;
	s6 =	sshll.u32 s0, $0x6;
	s24 =	simm.s32 $0x2900  }
0xd: {  	s4 =	sor.u32 s25, s4;
	_ =	strace $0x80000047;
	s10 =	sshrl.u32 s31, $0x1  }
0xe: {  	s8 =	sshrl.u32 s8, $0x2;
	s25 =	simm.s32 $0x2;
	s4 =	sor.u32 s5, s4  }
.Ltmp0:
0xf: {  	s5 =	sadd.s32 s26, s7;
	s11 =	ssub.s32 s31, s10;
	(pc) =	sbr.rel .LBB2_1-.Ltmp0, $4  }
0x10: {  	s26 =	simm.s32 $0x2980;
	s4 =	sshrl.u32 s4, $0x3;
	s7 =	sshrl.u32 s5, $0x3  }
0x11: {  	s5 =	sadd.s32 $0x59A00, s2;
	s11 =	smax.u32 s11, $0x1;
	s9 =	sadd.s32 s4, s2  }
0x12: {  	s4 =	sadd.s32 $0x28A00, s2;
	s2 =	sadd.s32 s7, s2;
	s7 =	sadd.s32 s8, s1  }
0x13: {  	s8 =	sor.u32 $0x1C04, s6;
	s9 =	sadd.s32 $0x4FC00, s9;
	s10 =	sadd.s32 $0x59C00, s2  }
.LBB2_8:
0x14: {  	_ =	swait.ge [sflag:s23], $0x2800  }
0x15: {  	[sflag:s23] =	ssyncset.done $0x0  }
0x16: {  	[sflag:s23] =	ssyncadd.s32 $0xFFFFD800  }
0x17: {  	[spmem:s1] =	stream.indirect.scatter.add.f32 [tilespmem:s18], [sflag:$0x5], $0x80, s24, s16, $0xb8;
	[tilespmem:$0x1DE80] =	vst v63  }
0x18: {  	_ =	swait.ge [sflag:s14], $0x2800  }
0x19: {  	[sflag:s14] =	ssyncset.done $0x0  }
0x1a: {  	[sflag:s14] =	ssyncadd.s32 $0xFFFFD800  }
0x1b: {  	_ =	swait.ge [sflag:s25], $0x2800  }
0x1c: {  	[sflag:s25] =	ssyncset.done $0x0  }
0x1d: {  	[sflag:s25] =	ssyncadd.s32 $0xFFFFD800  }
0x1e: {  	[spmem:s1] =	stream.indirect.scatter.add.f32 [tilespmem:s20], [sflag:$0x5], $0x80, s26, s16, $0xb8;
	[tilespmem:$0x1DE80] =	vst v63  }
0x1f: {  	_ =	swait.ge [sflag:s14], $0x2800  }
0x20: {  	s30 =	sadd.s32 $0x1, s30;
	[sflag:s14] =	ssyncset.done $0x0  }
0x21: {  	s2 =	sor.u32 $0x1C05, s6;
	p0 =	sne.s32 s30, s11;
	[sflag:s14] =	ssyncadd.s32 $0xFFFFD800  }
.Ltmp1:
0x22: {  	s31 =	sshrl.u32 s7, $0x3;
	[bflag:$0x0] =	sbarrier.arrive $0xFFFF;
	(pc) =	sbr.rel @!p0 .LBB2_9-.Ltmp1, $4  }
0x23: {  	[hbm:s10], [sflag:s2] =	dma.local [spmem:s31], $0x2780  }
0x24: {  	_ =	swait.ge [sflag:s14], $0x2780  }
0x25: {  	[sflag:s14] =	ssyncset.done $0x0  }
0x26: {  	[sflag:s14] =	ssyncadd.s32 $0xFFFFD880  }
.LBB2_1:
0x27: {  	s31 =	sadd.s32 $0x0, s7  }
0x28: {  	s2 =	simm.s32 $0x1000;
	s31 =	sshrl.u32 s31, $0x3  }
.LBB2_2:
0x29: {  	[spmem:s31], [sflag:s8] =	dma.local [hbm:s5], $0x80  }
0x2a: {  	s31 =	smov.u32 s2;
	p0 =	sne.s32 s2, $0x4E000  }
.Ltmp2:
0x2b: {  	s2 =	sadd.s32 $0x1000, s2;
	(pc) =	sbr.rel @p0 .LBB2_2-.Ltmp2, $4  }
0x2c: {  	_ = 	snop  }
0x2d: {  	s31 =	sshra.s32 s31, $0x2  }
0x2e: {  	s31 =	sadd.s32 s31, s7  }
0x2f: {  	s31 =	sshrl.u32 s31, $0x3  }
0x30: {  	[spmem:s31], [sflag:s8] =	dma.local [hbm:s5], $0x80  }
0x31: {  	[tilespmem:s3], [sflag:$0x5] =	stream.strided.gather [hbm4b:s9+s12], $0x2780, s13, s12, $0x38;
	[tilespmem:$0x1DE80] =	vst v63  }
0x32: {  	_ =	swait.ge [sflag:s14], $0x2780  }
0x33: {  	[sflag:s14] =	ssyncset.done $0x0  }
0x34: {  	[sflag:s14] =	ssyncadd.s32 $0xFFFFD880  }
0x35: {  	_ =	swait.ge [sflag:s15], $0x80  }
0x36: {  	s2 =	simm.s32 $0x4E;
	[sflag:s15] =	ssyncset.done $0x0  }
.LBB2_4:
0x37: {  	p0 =	sne.s32 s2, $0x1;
	s2 =	sadd.s32 $0xFFFFFFFF, s2;
	[sflag:s15] =	ssyncadd.s32 $0xFFFFFF80  }
.Ltmp3:
0x38: {  	(pc) =	sbr.rel @p0 .LBB2_4-.Ltmp3, $3  }
0x39: {  	_ =	sdelay $0x1  }
0x3a: {  	_ =	swait.ge [sflag:s15], $0x80  }
0x3b: {  	[sflag:s15] =	ssyncset.done $0x0  }
0x3c: {  	[sflag:s15] =	ssyncadd.s32 $0xFFFFFF80  }
0x3d: {  	[bflag:$0x0] =	sbarrier.arrive $0xFFFF  }
0x3e: {  	v0 =	vld [tilespmem:$0x0];
	_ =	sdelay $0x1  }
0x3f: {  	v1 =	vld [tilespmem:$0x10];
	_ =	sdelay $0x1  }
0x40: {  	v2 =	vld [tilespmem:$0x20]  }
0x41: {  	v3 =	vshrl.u32 v0, $0x10  }
0x42: {  	v26 =	vld [tilespmem:$0x30];
	v0 =	vand.u32 $0xFFFF, v0;
	[tilespmem:$0x2780] =	vst v3  }
0x43: {  	v27 =	vshrl.u32 v1, $0x10;
	[tilespmem:$0x2900] =	vst v0  }
0x44: {  	v29 =	vld [tilespmem:$0x40];
	v28 =	vand.u32 $0xFFFF, v1;
	[tilespmem:$0x2790] =	vst v27  }
0x45: {  	v30 =	vshrl.u32 v2, $0x10;
	[tilespmem:$0x2910] =	vst v28  }
0x46: {  	v31 =	vand.u32 $0xFFFF, v2;
	[tilespmem:$0x27A0] =	vst v30  }
0x47: {  	v32 =	vshrl.u32 v26, $0x10;
	[tilespmem:$0x2920] =	vst v31  }
0x48: {  	v33 =	vand.u32 $0xFFFF, v26;
	[tilespmem:$0x27B0] =	vst v32  }
0x49: {  	v34 =	vshrl.u32 v29, $0x10;
	[tilespmem:$0x2930] =	vst v33  }
0x4a: {  	v35 =	vand.u32 $0xFFFF, v29;
	[tilespmem:$0x27C0] =	vst v34  }
0x4b: {  	[tilespmem:$0x2940] =	vst v35  }
0x4c: {  	[tilespmem:s18], [sflag:$0x1] =	stream.indirect.gather [hbm4b:s4+s16], $0x80, s17, s16, $0xb8;
	[tilespmem:$0x1DE80] =	vst v63  }
0x4d: {  	v36 =	vld [tilespmem:$0x50];
	_ =	sdelay $0x1  }
0x4e: {  	v37 =	vld [tilespmem:$0x60];
	_ =	sdelay $0x1  }
0x4f: {  	v38 =	vld [tilespmem:$0x70]  }
0x50: {  	v39 =	vshrl.u32 v36, $0x10  }
0x51: {  	v40 =	vld [tilespmem:$0x80];
	v0 =	vand.u32 $0xFFFF, v36;
	[tilespmem:$0x2800] =	vst v39  }
0x52: {  	v41 =	vshrl.u32 v37, $0x10;
	[tilespmem:$0x2980] =	vst v0  }
0x53: {  	v43 =	vld [tilespmem:$0x90];
	v42 =	vand.u32 $0xFFFF, v37;
	[tilespmem:$0x2810] =	vst v41  }
0x54: {  	v44 =	vshrl.u32 v38, $0x10;
	[tilespmem:$0x2990] =	vst v42  }
0x55: {  	v45 =	vand.u32 $0xFFFF, v38;
	[tilespmem:$0x2820] =	vst v44  }
0x56: {  	v46 =	vshrl.u32 v40, $0x10;
	[tilespmem:$0x29A0] =	vst v45  }
0x57: {  	v47 =	vand.u32 $0xFFFF, v40;
	[tilespmem:$0x2830] =	vst v46  }
0x58: {  	v48 =	vshrl.u32 v43, $0x10;
	[tilespmem:$0x29B0] =	vst v47  }
0x59: {  	v49 =	vand.u32 $0xFFFF, v43;
	[tilespmem:$0x2840] =	vst v48  }
0x5a: {  	[tilespmem:$0x29C0] =	vst v49  }
0x5b: {  	[tilespmem:s20], [sflag:$0x2] =	stream.indirect.gather [hbm4b:s4+s16], $0x80, s19, s16, $0xb8;
	[tilespmem:$0x1DE80] =	vst v63  }
0x5c: {  	v50 =	vld [tilespmem:$0xA0];
	_ =	sdelay $0x1  }
0x5d: {  	v51 =	vld [tilespmem:$0xB0];
	_ =	sdelay $0x1  }
0x5e: {  	v52 =	vld [tilespmem:$0xC0]  }
0x5f: {  	v53 =	vshrl.u32 v50, $0x10  }
0x60: {  	v54 =	vld [tilespmem:$0xD0];
	v0 =	vand.u32 $0xFFFF, v50;
	[tilespmem:$0x2880] =	vst v53  }
0x61: {  	v55 =	vshrl.u32 v51, $0x10;
	[tilespmem:$0x2A00] =	vst v0  }
0x62: {  	v57 =	vld [tilespmem:$0xE0];
	v56 =	vand.u32 $0xFFFF, v51;
	[tilespmem:$0x2890] =	vst v55  }
0x63: {  	v58 =	vshrl.u32 v52, $0x10;
	[tilespmem:$0x2A10] =	vst v56  }
0x64: {  	v59 =	vand.u32 $0xFFFF, v52;
	[tilespmem:$0x28A0] =	vst v58  }
0x65: {  	v60 =	vshrl.u32 v54, $0x10;
	[tilespmem:$0x2A20] =	vst v59  }
0x66: {  	v61 =	vand.u32 $0xFFFF, v54;
	[tilespmem:$0x28B0] =	vst v60  }
0x67: {  	v62 =	vshrl.u32 v57, $0x10;
	[tilespmem:$0x2A30] =	vst v61  }
0x68: {  	v63 =	vand.u32 $0xFFFF, v57;
	[tilespmem:$0x28C0] =	vst v62  }
0x69: {  	s31 =	simm.s32 $0x740;
	[tilespmem:$0x2A40] =	vst v63  }
0x6a: {  	[tilespmem:s22], [sflag:$0x3] =	stream.indirect.gather [hbm4b:s4+s16], $0x80, s21, s16, $0xb8;
	[tilespmem:$0x1DE80] =	vst v63  }
.LBB2_6:
0x6b: {  	_ =	swait.ge [sflag:s23], $0x2800  }
0x6c: {  	[sflag:s23] =	ssyncset.done $0x0  }
0x6d: {  	[sflag:s23] =	ssyncadd.s32 $0xFFFFD800  }
0x6e: {  	[spmem:s1] =	stream.indirect.scatter.add.f32 [tilespmem:s18], [sflag:$0x5], $0x80, s24, s16, $0xb8;
	[tilespmem:$0x1DE80] =	vst v63  }
0x6f: {  	_ =	swait.ge [sflag:s14], $0x2800  }
0x70: {  	[sflag:s14] =	ssyncset.done $0x0  }
0x71: {  	s2 =	sshra.s32 s31, $0x2;
	[sflag:s14] =	ssyncadd.s32 $0xFFFFD800  }
0x72: {  	v0 =	vld [tilespmem:s2+$0xFFFFFF20];
	_ =	sdelay $0x4  }
0x73: {  	v1 =	vshrl.u32 v0, $0x10  }
0x74: {  	v0 =	vand.u32 $0xFFFF, v0;
	[tilespmem:$0x2780] =	vst v1  }
0x75: {  	[tilespmem:$0x2900] =	vst v0  }
0x76: {  	v0 =	vld [tilespmem:s2+$0xFFFFFF30];
	_ =	sdelay $0x4  }
0x77: {  	v54 =	vshrl.u32 v0, $0x10  }
0x78: {  	v0 =	vand.u32 $0xFFFF, v0;
	[tilespmem:$0x2790] =	vst v54  }
0x79: {  	[tilespmem:$0x2910] =	vst v0  }
0x7a: {  	v0 =	vld [tilespmem:s2+$0xFFFFFF40];
	_ =	sdelay $0x4  }
0x7b: {  	v55 =	vshrl.u32 v0, $0x10  }
0x7c: {  	v0 =	vand.u32 $0xFFFF, v0;
	[tilespmem:$0x27A0] =	vst v55  }
0x7d: {  	[tilespmem:$0x2920] =	vst v0  }
0x7e: {  	v0 =	vld [tilespmem:s2+$0xFFFFFF50];
	_ =	sdelay $0x4  }
0x7f: {  	v56 =	vshrl.u32 v0, $0x10  }
0x80: {  	v0 =	vand.u32 $0xFFFF, v0;
	[tilespmem:$0x27B0] =	vst v56  }
0x81: {  	[tilespmem:$0x2930] =	vst v0  }
0x82: {  	v0 =	vld [tilespmem:s2+$0xFFFFFF60];
	_ =	sdelay $0x4  }
0x83: {  	v57 =	vshrl.u32 v0, $0x10  }
0x84: {  	v0 =	vand.u32 $0xFFFF, v0;
	[tilespmem:$0x27C0] =	vst v57  }
0x85: {  	[tilespmem:$0x2940] =	vst v0  }
0x86: {  	[tilespmem:s18], [sflag:$0x1] =	stream.indirect.gather [hbm4b:s4+s16], $0x80, s17, s16, $0xb8;
	[tilespmem:$0x1DE80] =	vst v63  }
0x87: {  	_ =	swait.ge [sflag:s25], $0x2800  }
0x88: {  	[sflag:s25] =	ssyncset.done $0x0  }
0x89: {  	[sflag:s25] =	ssyncadd.s32 $0xFFFFD800  }
0x8a: {  	[spmem:s1] =	stream.indirect.scatter.add.f32 [tilespmem:s20], [sflag:$0x5], $0x80, s26, s16, $0xb8;
	[tilespmem:$0x1DE80] =	vst v63  }
0x8b: {  	_ =	swait.ge [sflag:s14], $0x2800  }
0x8c: {  	[sflag:s14] =	ssyncset.done $0x0  }
0x8d: {  	[sflag:s14] =	ssyncadd.s32 $0xFFFFD800  }
0x8e: {  	v58 =	vld [tilespmem:s2+$0xFFFFFF70];
	_ =	sdelay $0x4  }
0x8f: {  	v59 =	vshrl.u32 v58, $0x10  }
0x90: {  	v0 =	vand.u32 $0xFFFF, v58;
	[tilespmem:$0x2800] =	vst v59  }
0x91: {  	[tilespmem:$0x2980] =	vst v0  }
0x92: {  	v0 =	vld [tilespmem:s2+$0xFFFFFF80];
	_ =	sdelay $0x4  }
0x93: {  	v60 =	vshrl.u32 v0, $0x10  }
0x94: {  	v0 =	vand.u32 $0xFFFF, v0;
	[tilespmem:$0x2810] =	vst v60  }
0x95: {  	[tilespmem:$0x2990] =	vst v0  }
0x96: {  	v0 =	vld [tilespmem:s2+$0xFFFFFF90];
	_ =	sdelay $0x4  }
0x97: {  	v61 =	vshrl.u32 v0, $0x10  }
0x98: {  	v0 =	vand.u32 $0xFFFF, v0;
	[tilespmem:$0x2820] =	vst v61  }
0x99: {  	[tilespmem:$0x29A0] =	vst v0  }
0x9a: {  	v0 =	vld [tilespmem:s2+$0xFFFFFFA0];
	_ =	sdelay $0x4  }
0x9b: {  	v62 =	vshrl.u32 v0, $0x10  }
0x9c: {  	v0 =	vand.u32 $0xFFFF, v0;
	[tilespmem:$0x2830] =	vst v62  }
0x9d: {  	[tilespmem:$0x29B0] =	vst v0  }
0x9e: {  	v0 =	vld [tilespmem:s2+$0xFFFFFFB0];
	_ =	sdelay $0x4  }
0x9f: {  	v63 =	vshrl.u32 v0, $0x10  }
0xa0: {  	v0 =	vand.u32 $0xFFFF, v0;
	[tilespmem:$0x2840] =	vst v63  }
0xa1: {  	[tilespmem:$0x29C0] =	vst v0  }
0xa2: {  	[tilespmem:s20], [sflag:$0x2] =	stream.indirect.gather [hbm4b:s4+s16], $0x80, s19, s16, $0xb8;
	[tilespmem:$0x1DE80] =	vst v63  }
0xa3: {  	_ =	swait.ge [sflag:s28], $0x2800  }
0xa4: {  	p0 =	seq.s32 s31, $0x9D40;
	[sflag:s28] =	ssyncset.done $0x0  }
.Ltmp4:
0xa5: {  	[sflag:s28] =	ssyncadd.s32 $0xFFFFD800;
	(pc) =	sbr.rel @p0 .LBB2_8-.Ltmp4, $4  }
0xa6: {  	[spmem:s1] =	stream.indirect.scatter.add.f32 [tilespmem:s22], [sflag:$0x5], $0x80, s29, s16, $0xb8;
	[tilespmem:$0x1DE80] =	vst v63  }
0xa7: {  	_ =	swait.ge [sflag:s14], $0x2800  }
0xa8: {  	[sflag:s14] =	ssyncset.done $0x0  }
0xa9: {  	[sflag:s14] =	ssyncadd.s32 $0xFFFFD800  }
0xaa: {  	v0 =	vld [tilespmem:s2+$0xFFFFFFC0];
	_ =	sdelay $0x4  }
0xab: {  	v1 =	vshrl.u32 v0, $0x10  }
0xac: {  	v0 =	vand.u32 $0xFFFF, v0;
	[tilespmem:$0x2880] =	vst v1  }
0xad: {  	[tilespmem:$0x2A00] =	vst v0  }
0xae: {  	v0 =	vld [tilespmem:s2+$0xFFFFFFD0];
	_ =	sdelay $0x4  }
0xaf: {  	v60 =	vshrl.u32 v0, $0x10  }
0xb0: {  	v0 =	vand.u32 $0xFFFF, v0;
	[tilespmem:$0x2890] =	vst v60  }
0xb1: {  	[tilespmem:$0x2A10] =	vst v0  }
0xb2: {  	v0 =	vld [tilespmem:s2+$0xFFFFFFE0];
	_ =	sdelay $0x4  }
0xb3: {  	v61 =	vshrl.u32 v0, $0x10  }
0xb4: {  	v0 =	vand.u32 $0xFFFF, v0;
	[tilespmem:$0x28A0] =	vst v61  }
0xb5: {  	[tilespmem:$0x2A20] =	vst v0  }
0xb6: {  	v0 =	vld [tilespmem:s2+$0xFFFFFFF0];
	_ =	sdelay $0x4  }
0xb7: {  	v62 =	vshrl.u32 v0, $0x10  }
0xb8: {  	v0 =	vand.u32 $0xFFFF, v0;
	[tilespmem:$0x28B0] =	vst v62  }
0xb9: {  	[tilespmem:$0x2A30] =	vst v0  }
0xba: {  	v0 =	vld [tilespmem:s2+$0x0];
	_ =	sdelay $0x3  }
.Ltmp5:
0xbb: {  	_ = 	snop;
	(pc) =	sbr.rel .LBB2_6-.Ltmp5, $4  }
0xbc: {  	v63 =	vshrl.u32 v0, $0x10  }
0xbd: {  	v0 =	vand.u32 $0xFFFF, v0;
	[tilespmem:$0x28C0] =	vst v63  }
0xbe: {  	s31 =	sadd.s32 $0x3C0, s31;
	[tilespmem:$0x2A40] =	vst v0  }
0xbf: {  	[tilespmem:s22], [sflag:$0x3] =	stream.indirect.gather [hbm4b:s4+s16], $0x80, s21, s16, $0xb8;
	[tilespmem:$0x1DE80] =	vst v63  }
.LBB2_9:
0xc0: {  	_ =	sfence.sel $0x180000  }
0xc1: {  	[bflag:$0x0] =	sbarrier.arrive $0xFFFF  }
0xc2: {  	_ =	strace $0x90000047  }
0xc3: {  	[bflag:$0x2] =	sbarrier.arrive $0xFFFF  }
0xc4: {  	p0 =	sne.s32 s0, $0x0;
	s0 =	rddreg [dreg:$0x2]  }
0xc5: {  	s0 =	sadd.s32 @!p0 $0x100000, s0  }
0xc6: {  	[sflag:s0] =	ssyncadd.tile.s32 @!p0 $0x1;
	_ =	shalt  }
.Lfunc_end2:
_tile_overlayer_lowered:
.L_overlay_start_2:
0xc7: {  	(tag) =	ssettag $0x2  }
0xc8: {  	s0 =	rddreg [dreg:$0x0];
	s2 =	stileid.u32  }
0xc9: {  	s1 =	rddreg [dreg:$0x1];
	p0 =	sne.s32 s2, $0x0  }
0xca: {  	s3 =	rddreg [dreg:$0x2];
	[bflag:$0x3] =	sbarrier.arrive $0xFFFF;
	s2 =	simm.s32 @!p0 $0x1C05  }
0xcb: {  	[timem:s3], [sflag:s2] =	dma.local @!p0 [hbm:s0], s1  }
0xcc: {  	s0 =	simm.s32 @!p0 $0x5  }
0xcd: {  	_ =	swait.ge @!p0 [sflag:s0], s1  }
0xce: {  	s1 =	ssub.s32 @!p0 $0x0, s1;
	[sflag:s0] =	ssyncset.done @!p0 $0x0  }
0xcf: {  	[sflag:s0] =	ssyncadd.s32 @!p0 s1  }
0xd0: {  	[bflag:$0x3] =	sbarrier.arrive $0xFFFF  }
0xd1: {  	_ =	shalt  }

</sc_bundles>
